<compile_context>
chip_gen: v7x
topology: tpu7x:2x2x1
jax: 0.10.2.dev20260603
libtpu: 0.0.44.dev20260713+nightly
codegen_flags: <defaults>
</compile_context>

<pallas_src>
import functools

import jax
import jax.numpy as jnp
import numpy as np
from jax import lax
from jax.experimental import pallas as pl
from jax.experimental.pallas import tpu as pltpu
from jax.experimental.pallas import tpu_sc as plsc

B, N_NUM, N_CAT, D, V = 16384, 13, 26, 32, 1000000
NF = N_NUM + N_CAT
TOT = B * N_CAT
NW = 32
PER_W = TOT // NW
CH = 128
K = 8
GROUPS = PER_W // (CH * K)
BL = 512


def _sc_gather(table, idx_flat):
    idx3 = idx_flat.reshape(NW, PER_W // CH, CH)
    mesh = plsc.VectorSubcoreMesh(core_axis_name="c", subcore_axis_name="s")

    @functools.partial(
        pl.kernel,
        mesh=mesh,
        out_type=jax.ShapeDtypeStruct((TOT, D), jnp.float32),
        scratch_types=[
            pltpu.VMEM((PER_W // CH, CH), jnp.int32),
            pltpu.VMEM((K * CH, D), jnp.float32),
            pltpu.SemaphoreType.DMA,
        ],
        compiler_params=pltpu.CompilerParams(use_tc_tiling_on_sc=False),
    )
    def gather_kernel(table_hbm, idx_hbm, out_hbm, idx_v, rows_v, sem):
        wid = lax.axis_index("s") * 2 + lax.axis_index("c")
        pltpu.sync_copy(idx_hbm.at[wid], idx_v)
        base = wid * PER_W

        def group(g, carry):
            handles = []
            for b in range(K):
                handles.append(
                    pltpu.async_copy(
                        table_hbm.at[idx_v.at[g * K + b]],
                        rows_v.at[pl.ds(b * CH, CH)],
                        sem,
                    )
                )
            for h in handles:
                h.wait()
            pltpu.sync_copy(rows_v, out_hbm.at[pl.ds(base + g * (K * CH), K * CH)])
            return carry

        lax.fori_loop(0, GROUPS, group, 0)

    return gather_kernel(table, idx3)


def _tc_body(xf_r, idx_r, meta_r, emb_r, A_r, Wm_r, Mn_r, En_r, Mc_r, Ec_r,
             R_r, S0_r, S12_r, bnum_r, bcat_r, fidn_r, fidc_r, gn_r, btn_r,
             gc_r, btc_r, h0_o, raw_o, mask_o, um_o):
    f32 = jnp.float32
    dot = lambda a, b: lax.dot_general(
        a, b, (((1,), (0,)), ((), ())), preferred_element_type=f32)
    gelu = lambda t: 0.5 * t * (1.0 + lax.erf(t * np.float32(0.7071067811865476)))

    xf = xf_r[...]
    idxv = idx_r[...]
    m = meta_r[...]

    zn = gelu(dot(xf, A_r[...]) + bnum_r[...]) + fidn_r[...]
    zc = gelu(emb_r[...] + dot(m, Wm_r[...]) + bcat_r[...]) + fidc_r[...]

    def ln(z, M, E, g, bta):
        mean = dot(dot(z, M), E)
        msq = dot(dot(z * z, M), E)
        var = msq - mean * mean
        return (z - mean) * lax.rsqrt(var + np.float32(1e-5)) * g + bta

    h0_o[:, :N_NUM * D] = ln(zn, Mn_r[...], En_r[...], gn_r[...], btn_r[...])
    h0_o[:, N_NUM * D:] = ln(zc, Mc_r[...], Ec_r[...], gc_r[...], btc_r[...])

    idx_f = idxv.astype(f32)
    raw_o[:, :N_NUM] = dot(xf, S0_r[...])
    raw_o[:, N_NUM:] = idx_f

    mask_o[...] = jnp.where(
        lax.broadcasted_iota(jnp.int32, (BL, NF), 1) < N_NUM,
        np.float32(1.0), np.float32(0.0))

    um_o[:, :2 * N_NUM] = dot(xf, S12_r[...])
    sign = (idxv % 2 * 2 - 1).astype(f32)
    s_il = dot(sign, R_r[...])
    even = lax.broadcasted_iota(jnp.int32, (BL, 2 * N_CAT), 1) % 2 == 0
    um_o[:, 2 * N_NUM:] = jnp.where(even, 0.5 + s_il * (0.5 - 0.5 * m), m)


def kernel(x_numerical, x_categorical_idx, x_categorical_meta, W_num, b_num,
           table, W_meta, b_meta, feature_identity, gamma, beta):
    f32 = jnp.float32
    idx = x_categorical_idx.astype(jnp.int32)

    emb = _sc_gather(table, idx.reshape(TOT))

    rn = np.arange(3 * N_NUM)
    cn = np.arange(N_NUM * D)
    seln = jnp.asarray((rn[:, None] // 3 == cn[None, :] // D), f32)
    A = W_num[rn % 3][:, cn % D] * seln
    rc = np.arange(2 * N_CAT)
    cc = np.arange(N_CAT * D)
    selc = jnp.asarray((rc[:, None] // 2 == cc[None, :] // D), f32)
    Wm = W_meta[rc % 2][:, cc % D] * selc

    Mn = jnp.asarray((cn[:, None] // D == np.arange(N_NUM)[None, :]) / D, f32)
    En = jnp.asarray((np.arange(N_NUM)[:, None] == cn[None, :] // D), f32)
    Mc = jnp.asarray((cc[:, None] // D == np.arange(N_CAT)[None, :]) / D, f32)
    Ec = jnp.asarray((np.arange(N_CAT)[:, None] == cc[None, :] // D), f32)

    R = np.zeros((N_CAT, 2 * N_CAT), np.float32)
    R[np.arange(N_CAT), 2 * np.arange(N_CAT)] = 1.0
    R = jnp.asarray(R)
    S0 = np.zeros((3 * N_NUM, N_NUM), np.float32)
    S0[3 * np.arange(N_NUM), np.arange(N_NUM)] = 1.0
    S0 = jnp.asarray(S0)
    S12 = np.zeros((3 * N_NUM, 2 * N_NUM), np.float32)
    S12[3 * np.arange(N_NUM) + 1, 2 * np.arange(N_NUM)] = 1.0
    S12[3 * np.arange(N_NUM) + 2, 2 * np.arange(N_NUM) + 1] = 1.0
    S12 = jnp.asarray(S12)

    row = lambda v: v.reshape(1, -1)
    bnum = row(jnp.tile(b_num, N_NUM))
    bcat = row(jnp.tile(b_meta, N_CAT))
    fid = feature_identity.reshape(NF * D)
    fidn = row(fid[:N_NUM * D])
    fidc = row(fid[N_NUM * D:])
    gn = row(jnp.tile(gamma, N_NUM))
    btn = row(jnp.tile(beta, N_NUM))
    gc = row(jnp.tile(gamma, N_CAT))
    btc = row(jnp.tile(beta, N_CAT))

    xf = x_numerical.reshape(B, 3 * N_NUM)
    meta = x_categorical_meta.reshape(B, 2 * N_CAT)
    emb_f = emb.reshape(B, N_CAT * D)

    grid = (B // BL,)
    bspec = lambda shp, blocked: pl.BlockSpec(
        shp, (lambda i: (i, 0)) if blocked else (lambda i: (0, 0)))
    in_specs = [
        bspec((BL, 3 * N_NUM), True),
        bspec((BL, N_CAT), True),
        bspec((BL, 2 * N_CAT), True),
        bspec((BL, N_CAT * D), True),
        bspec(A.shape, False), bspec(Wm.shape, False),
        bspec(Mn.shape, False), bspec(En.shape, False),
        bspec(Mc.shape, False), bspec(Ec.shape, False),
        bspec(R.shape, False), bspec(S0.shape, False), bspec(S12.shape, False),
        bspec(bnum.shape, False), bspec(bcat.shape, False),
        bspec(fidn.shape, False), bspec(fidc.shape, False),
        bspec(gn.shape, False), bspec(btn.shape, False),
        bspec(gc.shape, False), bspec(btc.shape, False),
    ]
    out_specs = [
        bspec((BL, NF * D), True),
        bspec((BL, NF), True),
        bspec((BL, NF), True),
        bspec((BL, 2 * NF), True),
    ]
    out_shapes = [
        jax.ShapeDtypeStruct((B, NF * D), f32),
        jax.ShapeDtypeStruct((B, NF), f32),
        jax.ShapeDtypeStruct((B, NF), f32),
        jax.ShapeDtypeStruct((B, 2 * NF), f32),
    ]
    h0, raw, mask, um = pl.pallas_call(
        _tc_body,
        grid=grid,
        in_specs=in_specs,
        out_specs=out_specs,
        out_shape=out_shapes,
        compiler_params=pltpu.CompilerParams(
            dimension_semantics=("parallel",)),
    )(xf, idx, meta, emb_f, A, Wm, Mn, En, Mc, Ec, R, S0, S12,
      bnum, bcat, fidn, fidc, gn, btn, gc, btc)

    return (h0.reshape(B, NF, D), raw.reshape(B, NF, 1), mask,
            um.reshape(B, NF, 2))

# --- scband reference (transcript-rebuilt; emitter-appended) ---
"""Pipeline reference for scband-dafembedding-32495722561932 (READ-ONLY COPY).

The authoritative reference and input builder live on the scoring server;
editing this copy changes nothing except your own understanding.
"""

import jax, jax.numpy as jnp
import numpy as np

B, N_NUM, N_CAT, D, V = 16384, 13, 26, 32, 1000000


def setup_inputs(seed: int = 0) -> dict:
    key = jax.random.key(seed)
    ks = jax.random.split(key, 8)
    x_numerical = jax.random.normal(ks[0], (B, N_NUM, 3), dtype=jnp.float32)
    x_categorical_idx = jax.random.randint(ks[1], (B, N_CAT), 0, V, dtype=jnp.int64 if jax.config.jax_enable_x64 else jnp.int32)
    x_categorical_meta = jax.random.uniform(ks[2], (B, N_CAT, 2), dtype=jnp.float32)
    W_num = jax.random.normal(ks[3], (3, D), dtype=jnp.float32) * (1.0 / np.sqrt(3.0))
    b_num = jnp.zeros((D,), dtype=jnp.float32)
    table = jax.random.normal(ks[4], (V, D), dtype=jnp.float32)
    W_meta = jax.random.normal(ks[5], (2, D), dtype=jnp.float32) * (1.0 / np.sqrt(2.0))
    b_meta = jnp.zeros((D,), dtype=jnp.float32)
    feature_identity = jax.random.normal(ks[6], (1, N_NUM + N_CAT, D), dtype=jnp.float32)
    gamma = jnp.ones((D,), dtype=jnp.float32)
    beta = jnp.zeros((D,), dtype=jnp.float32)
    return {"x_numerical": x_numerical, "x_categorical_idx": x_categorical_idx, "x_categorical_meta": x_categorical_meta, "W_num": W_num, "b_num": b_num, "table": table, "W_meta": W_meta, "b_meta": b_meta, "feature_identity": feature_identity, "gamma": gamma, "beta": beta}


def _layer_norm(z, gamma, beta, eps=1e-5):
    mean = jnp.mean(z, axis=-1, keepdims=True)
    var = jnp.mean((z - mean) ** 2, axis=-1, keepdims=True)
    return (z - mean) / jnp.sqrt(var + eps) * gamma + beta


def reference(x_numerical, x_categorical_idx, x_categorical_meta, W_num, b_num, table, W_meta, b_meta, feature_identity, gamma, beta):
    gelu = lambda t: jax.nn.gelu(t, approximate=False)
    h_num = gelu(x_numerical @ W_num + b_num)
    emb = jnp.take(table, x_categorical_idx, axis=0)
    h_cat = gelu(emb + x_categorical_meta @ W_meta + b_meta)
    h_merged = jnp.concatenate([h_num, h_cat], axis=1)
    h_0 = _layer_norm(h_merged + feature_identity, gamma, beta)
    raw_values = jnp.concatenate([x_numerical[:, :, 0:1], x_categorical_idx[..., None].astype(jnp.float32)], axis=1)
    b = x_numerical.shape[0]
    n_num = x_numerical.shape[1]
    n_cat = x_categorical_idx.shape[1]
    feature_mask = jnp.concatenate([jnp.ones((b, n_num), dtype=jnp.float32), jnp.zeros((b, n_cat), dtype=jnp.float32)], axis=1)
    meta_num = x_numerical[:, :, 1:]
    cat_freq = x_categorical_meta[:, :, 0:1]
    cat_card = x_categorical_meta[:, :, 1:2]
    sign = (x_categorical_idx[..., None] % 2 * 2 - 1).astype(jnp.float32)
    transformed_freq = 0.5 + sign * 0.5 * (1.0 - cat_freq)
    unified_metadata = jnp.concatenate([meta_num, jnp.concatenate([transformed_freq, cat_card], axis=-1)], axis=1)
    unified_metadata = jax.lax.stop_gradient(unified_metadata)
    return (h_0, raw_values, feature_mask, unified_metadata)

if __name__ == "__main__":
    import jax
    _d = setup_inputs()
    print(jax.jit(kernel)(*tuple(_d.values())))

</pallas_src>

<mosaic_0001>
#map = affine_map<(d0, d1) -> (0, 0)>
#map1 = affine_map<(d0, d1) -> (0, 0, 0)>
module attributes {stable_mosaic.version = 14 : i64} {
  func.func @gather_kernel(%arg0: i32, %arg1: i32, %arg2: memref<1000000x32xf32, #tpu.memory_space<hbm>>, %arg3: memref<32x104x128xi32, #tpu.memory_space<hbm>>, %arg4: memref<425984x32xf32, #tpu.memory_space<hbm>>, %arg5: memref<104x128xi32, #tpu.memory_space<vmem>>, %arg6: memref<1024x32xf32, #tpu.memory_space<vmem>>, %arg7: memref<!tpu.dma_semaphore, #tpu.memory_space<semaphore_mem>>) attributes {dimension_semantics = [#tpu.dimension_semantics<core_parallel>, #tpu.dimension_semantics<subcore_parallel>], iteration_bounds = array<i64: 2, 16>, scalar_prefetch = 0 : i64, scratch_operands = 3 : i64, tpu.core_type = #tpu.core_type<sc_vector_subcore>, window_params = [{transform_indices = #map}, {transform_indices = #map1}, {transform_indices = #map}]} {
    %mul3A = arith.constant 2 : i32
    %mul3A_0 = arith.muli %arg1, %mul3A : i32
    %add3A = arith.addi %mul3A_0, %arg0 : i32
    "tpu.region"() ({
      %run_scoped3A = tpu.sem_alloc : memref<!tpu.dma_semaphore, #tpu.memory_space<semaphore_mem>>
      %dma_start3A = arith.constant 0 : i32
      %dma_start3A_8 = arith.constant 0 : i32
      %dma_start3A_9 = tpu.memref_slice %arg3[%add3A, %dma_start3A, %dma_start3A_8] : memref<32x104x128xi32, #tpu.memory_space<hbm>> -> memref<1x104x128xi32, #tpu.memory_space<hbm>>
      %dma_start3A_10 = tpu.memref_squeeze %dma_start3A_9 : memref<1x104x128xi32, #tpu.memory_space<hbm>> -> memref<104x128xi32, #tpu.memory_space<hbm>>
      %dma_start3A_11 = arith.constant 0 : i32
      %dma_start3A_12 = arith.constant 0 : i32
      %dma_start3A_13 = tpu.memref_slice %arg3[%add3A, %dma_start3A_11, %dma_start3A_12] : memref<32x104x128xi32, #tpu.memory_space<hbm>> -> memref<1x104x128xi32, #tpu.memory_space<hbm>>
      %dma_start3A_14 = tpu.memref_squeeze %dma_start3A_13 : memref<1x104x128xi32, #tpu.memory_space<hbm>> -> memref<104x128xi32, #tpu.memory_space<hbm>>
      tpu.enqueue_dma source(%dma_start3A_14 : memref<104x128xi32, #tpu.memory_space<hbm>>) target(%arg5 : memref<104x128xi32, #tpu.memory_space<vmem>>) target_semaphore(%run_scoped3A : memref<!tpu.dma_semaphore, #tpu.memory_space<semaphore_mem>>)
      %dma_wait3A = arith.constant 0 : i32
      %dma_wait3A_15 = arith.constant 0 : i32
      %dma_wait3A_16 = tpu.memref_slice %arg3[%add3A, %dma_wait3A, %dma_wait3A_15] : memref<32x104x128xi32, #tpu.memory_space<hbm>> -> memref<1x104x128xi32, #tpu.memory_space<hbm>>
      %dma_wait3A_17 = tpu.memref_squeeze %dma_wait3A_16 : memref<1x104x128xi32, #tpu.memory_space<hbm>> -> memref<104x128xi32, #tpu.memory_space<hbm>>
      %dma_wait3A_18 = arith.constant 0 : i32
      %dma_wait3A_19 = arith.constant 0 : i32
      %dma_wait3A_20 = tpu.memref_slice %arg3[%add3A, %dma_wait3A_18, %dma_wait3A_19] : memref<32x104x128xi32, #tpu.memory_space<hbm>> -> memref<1x104x128xi32, #tpu.memory_space<hbm>>
      %dma_wait3A_21 = tpu.memref_squeeze %dma_wait3A_20 : memref<1x104x128xi32, #tpu.memory_space<hbm>> -> memref<104x128xi32, #tpu.memory_space<hbm>>
      tpu.wait_dma2 semaphore(%run_scoped3A : memref<!tpu.dma_semaphore, #tpu.memory_space<semaphore_mem>>) src(%dma_wait3A_21 : memref<104x128xi32, #tpu.memory_space<hbm>>) dst(%arg5 : memref<104x128xi32, #tpu.memory_space<vmem>>)
      tpu.yield
    }) : () -> ()
    %mul3A_1 = arith.constant 13312 : i32
    %mul3A_2 = arith.muli %add3A, %mul3A_1 : i32
    %scan3A = arith.constant 0 : i32
    %scan3A_3 = arith.constant 0 : i32
    %scan3A_4 = arith.constant 13 : i32
    %scan3A_5 = arith.addi %scan3A_3, %scan3A_4 : i32
    %scan3A_6 = arith.constant 1 : i32
    scf.for %scan3A_8 = %scan3A_3 to %scan3A_5 step %scan3A_6  : i32 {
      %mul3A_9 = arith.constant 8 : i32
      %mul3A_10 = arith.muli %scan3A_8, %mul3A_9 : i32
      %add3A_11 = arith.constant 0 : i32
      %add3A_12 = arith.addi %mul3A_10, %add3A_11 : i32
      %dma_start3A = arith.constant 0 : i32
      %dma_start3A_13 = arith.constant 0 : i32
      %dma_start3A_14 = tpu.memref_slice %arg6[%dma_start3A, %dma_start3A_13] : memref<1024x32xf32, #tpu.memory_space<vmem>> -> memref<128x32xf32, #tpu.memory_space<vmem>>
      %dma_start3A_15 = arith.constant 0 : i32
      %dma_start3A_16 = tpu.memref_slice %arg5[%add3A_12, %dma_start3A_15] : memref<104x128xi32, #tpu.memory_space<vmem>> -> memref<1x128xi32, #tpu.memory_space<vmem>>
      %dma_start3A_17 = tpu.memref_squeeze %dma_start3A_16 : memref<1x128xi32, #tpu.memory_space<vmem>> -> memref<128xi32, #tpu.memory_space<vmem>>
      %dma_start3A_18 = arith.constant 0 : i32
      %dma_start3A_19 = arith.constant 0 : i32
      %dma_start3A_20 = tpu.memref_slice %arg2[%dma_start3A_18, %dma_start3A_19] : memref<1000000x32xf32, #tpu.memory_space<hbm>> -> memref<1000000x32xf32, #tpu.memory_space<hbm>>
      tpu.enqueue_indirect_dma source(%dma_start3A_20 : memref<1000000x32xf32, #tpu.memory_space<hbm>>) target(%dma_start3A_14 : memref<128x32xf32, #tpu.memory_space<vmem>>) offsets(%dma_start3A_17 : memref<128xi32, #tpu.memory_space<vmem>>) semaphore(%arg7 : memref<!tpu.dma_semaphore, #tpu.memory_space<semaphore_mem>>)
      %mul3A_21 = arith.constant 8 : i32
      %mul3A_22 = arith.muli %scan3A_8, %mul3A_21 : i32
      %add3A_23 = arith.constant 1 : i32
      %add3A_24 = arith.addi %mul3A_22, %add3A_23 : i32
      %dma_start3A_25 = arith.constant 128 : i32
      %dma_start3A_26 = arith.constant 0 : i32
      %dma_start3A_27 = tpu.memref_slice %arg6[%dma_start3A_25, %dma_start3A_26] : memref<1024x32xf32, #tpu.memory_space<vmem>> -> memref<128x32xf32, #tpu.memory_space<vmem>>
      %dma_start3A_28 = arith.constant 0 : i32
      %dma_start3A_29 = tpu.memref_slice %arg5[%add3A_24, %dma_start3A_28] : memref<104x128xi32, #tpu.memory_space<vmem>> -> memref<1x128xi32, #tpu.memory_space<vmem>>
      %dma_start3A_30 = tpu.memref_squeeze %dma_start3A_29 : memref<1x128xi32, #tpu.memory_space<vmem>> -> memref<128xi32, #tpu.memory_space<vmem>>
      %dma_start3A_31 = arith.constant 0 : i32
      %dma_start3A_32 = arith.constant 0 : i32
      %dma_start3A_33 = tpu.memref_slice %arg2[%dma_start3A_31, %dma_start3A_32] : memref<1000000x32xf32, #tpu.memory_space<hbm>> -> memref<1000000x32xf32, #tpu.memory_space<hbm>>
      tpu.enqueue_indirect_dma source(%dma_start3A_33 : memref<1000000x32xf32, #tpu.memory_space<hbm>>) target(%dma_start3A_27 : memref<128x32xf32, #tpu.memory_space<vmem>>) offsets(%dma_start3A_30 : memref<128xi32, #tpu.memory_space<vmem>>) semaphore(%arg7 : memref<!tpu.dma_semaphore, #tpu.memory_space<semaphore_mem>>)
      %mul3A_34 = arith.constant 8 : i32
      %mul3A_35 = arith.muli %scan3A_8, %mul3A_34 : i32
      %add3A_36 = arith.constant 2 : i32
      %add3A_37 = arith.addi %mul3A_35, %add3A_36 : i32
      %dma_start3A_38 = arith.constant 256 : i32
      %dma_start3A_39 = arith.constant 0 : i32
      %dma_start3A_40 = tpu.memref_slice %arg6[%dma_start3A_38, %dma_start3A_39] : memref<1024x32xf32, #tpu.memory_space<vmem>> -> memref<128x32xf32, #tpu.memory_space<vmem>>
      %dma_start3A_41 = arith.constant 0 : i32
      %dma_start3A_42 = tpu.memref_slice %arg5[%add3A_37, %dma_start3A_41] : memref<104x128xi32, #tpu.memory_space<vmem>> -> memref<1x128xi32, #tpu.memory_space<vmem>>
      %dma_start3A_43 = tpu.memref_squeeze %dma_start3A_42 : memref<1x128xi32, #tpu.memory_space<vmem>> -> memref<128xi32, #tpu.memory_space<vmem>>
      %dma_start3A_44 = arith.constant 0 : i32
      %dma_start3A_45 = arith.constant 0 : i32
      %dma_start3A_46 = tpu.memref_slice %arg2[%dma_start3A_44, %dma_start3A_45] : memref<1000000x32xf32, #tpu.memory_space<hbm>> -> memref<1000000x32xf32, #tpu.memory_space<hbm>>
      tpu.enqueue_indirect_dma source(%dma_start3A_46 : memref<1000000x32xf32, #tpu.memory_space<hbm>>) target(%dma_start3A_40 : memref<128x32xf32, #tpu.memory_space<vmem>>) offsets(%dma_start3A_43 : memref<128xi32, #tpu.memory_space<vmem>>) semaphore(%arg7 : memref<!tpu.dma_semaphore, #tpu.memory_space<semaphore_mem>>)
      %mul3A_47 = arith.constant 8 : i32
      %mul3A_48 = arith.muli %scan3A_8, %mul3A_47 : i32
      %add3A_49 = arith.constant 3 : i32
      %add3A_50 = arith.addi %mul3A_48, %add3A_49 : i32
      %dma_start3A_51 = arith.constant 384 : i32
      %dma_start3A_52 = arith.constant 0 : i32
      %dma_start3A_53 = tpu.memref_slice %arg6[%dma_start3A_51, %dma_start3A_52] : memref<1024x32xf32, #tpu.memory_space<vmem>> -> memref<128x32xf32, #tpu.memory_space<vmem>>
      %dma_start3A_54 = arith.constant 0 : i32
      %dma_start3A_55 = tpu.memref_slice %arg5[%add3A_50, %dma_start3A_54] : memref<104x128xi32, #tpu.memory_space<vmem>> -> memref<1x128xi32, #tpu.memory_space<vmem>>
      %dma_start3A_56 = tpu.memref_squeeze %dma_start3A_55 : memref<1x128xi32, #tpu.memory_space<vmem>> -> memref<128xi32, #tpu.memory_space<vmem>>
      %dma_start3A_57 = arith.constant 0 : i32
      %dma_start3A_58 = arith.constant 0 : i32
      %dma_start3A_59 = tpu.memref_slice %arg2[%dma_start3A_57, %dma_start3A_58] : memref<1000000x32xf32, #tpu.memory_space<hbm>> -> memref<1000000x32xf32, #tpu.memory_space<hbm>>
      tpu.enqueue_indirect_dma source(%dma_start3A_59 : memref<1000000x32xf32, #tpu.memory_space<hbm>>) target(%dma_start3A_53 : memref<128x32xf32, #tpu.memory_space<vmem>>) offsets(%dma_start3A_56 : memref<128xi32, #tpu.memory_space<vmem>>) semaphore(%arg7 : memref<!tpu.dma_semaphore, #tpu.memory_space<semaphore_mem>>)
      %mul3A_60 = arith.constant 8 : i32
      %mul3A_61 = arith.muli %scan3A_8, %mul3A_60 : i32
      %add3A_62 = arith.constant 4 : i32
      %add3A_63 = arith.addi %mul3A_61, %add3A_62 : i32
      %dma_start3A_64 = arith.constant 512 : i32
      %dma_start3A_65 = arith.constant 0 : i32
      %dma_start3A_66 = tpu.memref_slice %arg6[%dma_start3A_64, %dma_start3A_65] : memref<1024x32xf32, #tpu.memory_space<vmem>> -> memref<128x32xf32, #tpu.memory_space<vmem>>
      %dma_start3A_67 = arith.constant 0 : i32
      %dma_start3A_68 = tpu.memref_slice %arg5[%add3A_63, %dma_start3A_67] : memref<104x128xi32, #tpu.memory_space<vmem>> -> memref<1x128xi32, #tpu.memory_space<vmem>>
      %dma_start3A_69 = tpu.memref_squeeze %dma_start3A_68 : memref<1x128xi32, #tpu.memory_space<vmem>> -> memref<128xi32, #tpu.memory_space<vmem>>
      %dma_start3A_70 = arith.constant 0 : i32
      %dma_start3A_71 = arith.constant 0 : i32
      %dma_start3A_72 = tpu.memref_slice %arg2[%dma_start3A_70, %dma_start3A_71] : memref<1000000x32xf32, #tpu.memory_space<hbm>> -> memref<1000000x32xf32, #tpu.memory_space<hbm>>
      tpu.enqueue_indirect_dma source(%dma_start3A_72 : memref<1000000x32xf32, #tpu.memory_space<hbm>>) target(%dma_start3A_66 : memref<128x32xf32, #tpu.memory_space<vmem>>) offsets(%dma_start3A_69 : memref<128xi32, #tpu.memory_space<vmem>>) semaphore(%arg7 : memref<!tpu.dma_semaphore, #tpu.memory_space<semaphore_mem>>)
      %mul3A_73 = arith.constant 8 : i32
      %mul3A_74 = arith.muli %scan3A_8, %mul3A_73 : i32
      %add3A_75 = arith.constant 5 : i32
      %add3A_76 = arith.addi %mul3A_74, %add3A_75 : i32
      %dma_start3A_77 = arith.constant 640 : i32
      %dma_start3A_78 = arith.constant 0 : i32
      %dma_start3A_79 = tpu.memref_slice %arg6[%dma_start3A_77, %dma_start3A_78] : memref<1024x32xf32, #tpu.memory_space<vmem>> -> memref<128x32xf32, #tpu.memory_space<vmem>>
      %dma_start3A_80 = arith.constant 0 : i32
      %dma_start3A_81 = tpu.memref_slice %arg5[%add3A_76, %dma_start3A_80] : memref<104x128xi32, #tpu.memory_space<vmem>> -> memref<1x128xi32, #tpu.memory_space<vmem>>
      %dma_start3A_82 = tpu.memref_squeeze %dma_start3A_81 : memref<1x128xi32, #tpu.memory_space<vmem>> -> memref<128xi32, #tpu.memory_space<vmem>>
      %dma_start3A_83 = arith.constant 0 : i32
      %dma_start3A_84 = arith.constant 0 : i32
      %dma_start3A_85 = tpu.memref_slice %arg2[%dma_start3A_83, %dma_start3A_84] : memref<1000000x32xf32, #tpu.memory_space<hbm>> -> memref<1000000x32xf32, #tpu.memory_space<hbm>>
      tpu.enqueue_indirect_dma source(%dma_start3A_85 : memref<1000000x32xf32, #tpu.memory_space<hbm>>) target(%dma_start3A_79 : memref<128x32xf32, #tpu.memory_space<vmem>>) offsets(%dma_start3A_82 : memref<128xi32, #tpu.memory_space<vmem>>) semaphore(%arg7 : memref<!tpu.dma_semaphore, #tpu.memory_space<semaphore_mem>>)
      %mul3A_86 = arith.constant 8 : i32
      %mul3A_87 = arith.muli %scan3A_8, %mul3A_86 : i32
      %add3A_88 = arith.constant 6 : i32
      %add3A_89 = arith.addi %mul3A_87, %add3A_88 : i32
      %dma_start3A_90 = arith.constant 768 : i32
      %dma_start3A_91 = arith.constant 0 : i32
      %dma_start3A_92 = tpu.memref_slice %arg6[%dma_start3A_90, %dma_start3A_91] : memref<1024x32xf32, #tpu.memory_space<vmem>> -> memref<128x32xf32, #tpu.memory_space<vmem>>
      %dma_start3A_93 = arith.constant 0 : i32
      %dma_start3A_94 = tpu.memref_slice %arg5[%add3A_89, %dma_start3A_93] : memref<104x128xi32, #tpu.memory_space<vmem>> -> memref<1x128xi32, #tpu.memory_space<vmem>>
      %dma_start3A_95 = tpu.memref_squeeze %dma_start3A_94 : memref<1x128xi32, #tpu.memory_space<vmem>> -> memref<128xi32, #tpu.memory_space<vmem>>
      %dma_start3A_96 = arith.constant 0 : i32
      %dma_start3A_97 = arith.constant 0 : i32
      %dma_start3A_98 = tpu.memref_slice %arg2[%dma_start3A_96, %dma_start3A_97] : memref<1000000x32xf32, #tpu.memory_space<hbm>> -> memref<1000000x32xf32, #tpu.memory_space<hbm>>
      tpu.enqueue_indirect_dma source(%dma_start3A_98 : memref<1000000x32xf32, #tpu.memory_space<hbm>>) target(%dma_start3A_92 : memref<128x32xf32, #tpu.memory_space<vmem>>) offsets(%dma_start3A_95 : memref<128xi32, #tpu.memory_space<vmem>>) semaphore(%arg7 : memref<!tpu.dma_semaphore, #tpu.memory_space<semaphore_mem>>)
      %mul3A_99 = arith.constant 8 : i32
      %mul3A_100 = arith.muli %scan3A_8, %mul3A_99 : i32
      %add3A_101 = arith.constant 7 : i32
      %add3A_102 = arith.addi %mul3A_100, %add3A_101 : i32
      %dma_start3A_103 = arith.constant 896 : i32
      %dma_start3A_104 = arith.constant 0 : i32
      %dma_start3A_105 = tpu.memref_slice %arg6[%dma_start3A_103, %dma_start3A_104] : memref<1024x32xf32, #tpu.memory_space<vmem>> -> memref<128x32xf32, #tpu.memory_space<vmem>>
      %dma_start3A_106 = arith.constant 0 : i32
      %dma_start3A_107 = tpu.memref_slice %arg5[%add3A_102, %dma_start3A_106] : memref<104x128xi32, #tpu.memory_space<vmem>> -> memref<1x128xi32, #tpu.memory_space<vmem>>
      %dma_start3A_108 = tpu.memref_squeeze %dma_start3A_107 : memref<1x128xi32, #tpu.memory_space<vmem>> -> memref<128xi32, #tpu.memory_space<vmem>>
      %dma_start3A_109 = arith.constant 0 : i32
      %dma_start3A_110 = arith.constant 0 : i32
      %dma_start3A_111 = tpu.memref_slice %arg2[%dma_start3A_109, %dma_start3A_110] : memref<1000000x32xf32, #tpu.memory_space<hbm>> -> memref<1000000x32xf32, #tpu.memory_space<hbm>>
      tpu.enqueue_indirect_dma source(%dma_start3A_111 : memref<1000000x32xf32, #tpu.memory_space<hbm>>) target(%dma_start3A_105 : memref<128x32xf32, #tpu.memory_space<vmem>>) offsets(%dma_start3A_108 : memref<128xi32, #tpu.memory_space<vmem>>) semaphore(%arg7 : memref<!tpu.dma_semaphore, #tpu.memory_space<semaphore_mem>>)
      %dma_wait3A = arith.constant 0 : i32
      %dma_wait3A_112 = arith.constant 0 : i32
      %dma_wait3A_113 = tpu.memref_slice %arg6[%dma_wait3A, %dma_wait3A_112] : memref<1024x32xf32, #tpu.memory_space<vmem>> -> memref<128x32xf32, #tpu.memory_space<vmem>>
      %dma_wait3A_114 = arith.constant 0 : i32
      %dma_wait3A_115 = tpu.memref_slice %arg5[%add3A_12, %dma_wait3A_114] : memref<104x128xi32, #tpu.memory_space<vmem>> -> memref<1x128xi32, #tpu.memory_space<vmem>>
      %dma_wait3A_116 = tpu.memref_squeeze %dma_wait3A_115 : memref<1x128xi32, #tpu.memory_space<vmem>> -> memref<128xi32, #tpu.memory_space<vmem>>
      %dma_wait3A_117 = arith.constant 0 : i32
      %dma_wait3A_118 = arith.constant 0 : i32
      %dma_wait3A_119 = tpu.memref_slice %arg2[%dma_wait3A_117, %dma_wait3A_118] : memref<1000000x32xf32, #tpu.memory_space<hbm>> -> memref<1000000x32xf32, #tpu.memory_space<hbm>>
      tpu.wait_indirect_dma semaphore(%arg7 : memref<!tpu.dma_semaphore, #tpu.memory_space<semaphore_mem>>) src(%dma_wait3A_119 : memref<1000000x32xf32, #tpu.memory_space<hbm>>) dst(%dma_wait3A_113 : memref<128x32xf32, #tpu.memory_space<vmem>>)
      %dma_wait3A_120 = arith.constant 128 : i32
      %dma_wait3A_121 = arith.constant 0 : i32
      %dma_wait3A_122 = tpu.memref_slice %arg6[%dma_wait3A_120, %dma_wait3A_121] : memref<1024x32xf32, #tpu.memory_space<vmem>> -> memref<128x32xf32, #tpu.memory_space<vmem>>
      %dma_wait3A_123 = arith.constant 0 : i32
      %dma_wait3A_124 = tpu.memref_slice %arg5[%add3A_24, %dma_wait3A_123] : memref<104x128xi32, #tpu.memory_space<vmem>> -> memref<1x128xi32, #tpu.memory_space<vmem>>
      %dma_wait3A_125 = tpu.memref_squeeze %dma_wait3A_124 : memref<1x128xi32, #tpu.memory_space<vmem>> -> memref<128xi32, #tpu.memory_space<vmem>>
      %dma_wait3A_126 = arith.constant 0 : i32
      %dma_wait3A_127 = arith.constant 0 : i32
      %dma_wait3A_128 = tpu.memref_slice %arg2[%dma_wait3A_126, %dma_wait3A_127] : memref<1000000x32xf32, #tpu.memory_space<hbm>> -> memref<1000000x32xf32, #tpu.memory_space<hbm>>
      tpu.wait_indirect_dma semaphore(%arg7 : memref<!tpu.dma_semaphore, #tpu.memory_space<semaphore_mem>>) src(%dma_wait3A_128 : memref<1000000x32xf32, #tpu.memory_space<hbm>>) dst(%dma_wait3A_122 : memref<128x32xf32, #tpu.memory_space<vmem>>)
      %dma_wait3A_129 = arith.constant 256 : i32
      %dma_wait3A_130 = arith.constant 0 : i32
      %dma_wait3A_131 = tpu.memref_slice %arg6[%dma_wait3A_129, %dma_wait3A_130] : memref<1024x32xf32, #tpu.memory_space<vmem>> -> memref<128x32xf32, #tpu.memory_space<vmem>>
      %dma_wait3A_132 = arith.constant 0 : i32
      %dma_wait3A_133 = tpu.memref_slice %arg5[%add3A_37, %dma_wait3A_132] : memref<104x128xi32, #tpu.memory_space<vmem>> -> memref<1x128xi32, #tpu.memory_space<vmem>>
      %dma_wait3A_134 = tpu.memref_squeeze %dma_wait3A_133 : memref<1x128xi32, #tpu.memory_space<vmem>> -> memref<128xi32, #tpu.memory_space<vmem>>
      %dma_wait3A_135 = arith.constant 0 : i32
      %dma_wait3A_136 = arith.constant 0 : i32
      %dma_wait3A_137 = tpu.memref_slice %arg2[%dma_wait3A_135, %dma_wait3A_136] : memref<1000000x32xf32, #tpu.memory_space<hbm>> -> memref<1000000x32xf32, #tpu.memory_space<hbm>>
      tpu.wait_indirect_dma semaphore(%arg7 : memref<!tpu.dma_semaphore, #tpu.memory_space<semaphore_mem>>) src(%dma_wait3A_137 : memref<1000000x32xf32, #tpu.memory_space<hbm>>) dst(%dma_wait3A_131 : memref<128x32xf32, #tpu.memory_space<vmem>>)
      %dma_wait3A_138 = arith.constant 384 : i32
      %dma_wait3A_139 = arith.constant 0 : i32
      %dma_wait3A_140 = tpu.memref_slice %arg6[%dma_wait3A_138, %dma_wait3A_139] : memref<1024x32xf32, #tpu.memory_space<vmem>> -> memref<128x32xf32, #tpu.memory_space<vmem>>
      %dma_wait3A_141 = arith.constant 0 : i32
      %dma_wait3A_142 = tpu.memref_slice %arg5[%add3A_50, %dma_wait3A_141] : memref<104x128xi32, #tpu.memory_space<vmem>> -> memref<1x128xi32, #tpu.memory_space<vmem>>
      %dma_wait3A_143 = tpu.memref_squeeze %dma_wait3A_142 : memref<1x128xi32, #tpu.memory_space<vmem>> -> memref<128xi32, #tpu.memory_space<vmem>>
      %dma_wait3A_144 = arith.constant 0 : i32
      %dma_wait3A_145 = arith.constant 0 : i32
      %dma_wait3A_146 = tpu.memref_slice %arg2[%dma_wait3A_144, %dma_wait3A_145] : memref<1000000x32xf32, #tpu.memory_space<hbm>> -> memref<1000000x32xf32, #tpu.memory_space<hbm>>
      tpu.wait_indirect_dma semaphore(%arg7 : memref<!tpu.dma_semaphore, #tpu.memory_space<semaphore_mem>>) src(%dma_wait3A_146 : memref<1000000x32xf32, #tpu.memory_space<hbm>>) dst(%dma_wait3A_140 : memref<128x32xf32, #tpu.memory_space<vmem>>)
      %dma_wait3A_147 = arith.constant 512 : i32
      %dma_wait3A_148 = arith.constant 0 : i32
      %dma_wait3A_149 = tpu.memref_slice %arg6[%dma_wait3A_147, %dma_wait3A_148] : memref<1024x32xf32, #tpu.memory_space<vmem>> -> memref<128x32xf32, #tpu.memory_space<vmem>>
      %dma_wait3A_150 = arith.constant 0 : i32
      %dma_wait3A_151 = tpu.memref_slice %arg5[%add3A_63, %dma_wait3A_150] : memref<104x128xi32, #tpu.memory_space<vmem>> -> memref<1x128xi32, #tpu.memory_space<vmem>>
      %dma_wait3A_152 = tpu.memref_squeeze %dma_wait3A_151 : memref<1x128xi32, #tpu.memory_space<vmem>> -> memref<128xi32, #tpu.memory_space<vmem>>
      %dma_wait3A_153 = arith.constant 0 : i32
      %dma_wait3A_154 = arith.constant 0 : i32
      %dma_wait3A_155 = tpu.memref_slice %arg2[%dma_wait3A_153, %dma_wait3A_154] : memref<1000000x32xf32, #tpu.memory_space<hbm>> -> memref<1000000x32xf32, #tpu.memory_space<hbm>>
      tpu.wait_indirect_dma semaphore(%arg7 : memref<!tpu.dma_semaphore, #tpu.memory_space<semaphore_mem>>) src(%dma_wait3A_155 : memref<1000000x32xf32, #tpu.memory_space<hbm>>) dst(%dma_wait3A_149 : memref<128x32xf32, #tpu.memory_space<vmem>>)
      %dma_wait3A_156 = arith.constant 640 : i32
      %dma_wait3A_157 = arith.constant 0 : i32
      %dma_wait3A_158 = tpu.memref_slice %arg6[%dma_wait3A_156, %dma_wait3A_157] : memref<1024x32xf32, #tpu.memory_space<vmem>> -> memref<128x32xf32, #tpu.memory_space<vmem>>
      %dma_wait3A_159 = arith.constant 0 : i32
      %dma_wait3A_160 = tpu.memref_slice %arg5[%add3A_76, %dma_wait3A_159] : memref<104x128xi32, #tpu.memory_space<vmem>> -> memref<1x128xi32, #tpu.memory_space<vmem>>
      %dma_wait3A_161 = tpu.memref_squeeze %dma_wait3A_160 : memref<1x128xi32, #tpu.memory_space<vmem>> -> memref<128xi32, #tpu.memory_space<vmem>>
      %dma_wait3A_162 = arith.constant 0 : i32
      %dma_wait3A_163 = arith.constant 0 : i32
      %dma_wait3A_164 = tpu.memref_slice %arg2[%dma_wait3A_162, %dma_wait3A_163] : memref<1000000x32xf32, #tpu.memory_space<hbm>> -> memref<1000000x32xf32, #tpu.memory_space<hbm>>
      tpu.wait_indirect_dma semaphore(%arg7 : memref<!tpu.dma_semaphore, #tpu.memory_space<semaphore_mem>>) src(%dma_wait3A_164 : memref<1000000x32xf32, #tpu.memory_space<hbm>>) dst(%dma_wait3A_158 : memref<128x32xf32, #tpu.memory_space<vmem>>)
      %dma_wait3A_165 = arith.constant 768 : i32
      %dma_wait3A_166 = arith.constant 0 : i32
      %dma_wait3A_167 = tpu.memref_slice %arg6[%dma_wait3A_165, %dma_wait3A_166] : memref<1024x32xf32, #tpu.memory_space<vmem>> -> memref<128x32xf32, #tpu.memory_space<vmem>>
      %dma_wait3A_168 = arith.constant 0 : i32
      %dma_wait3A_169 = tpu.memref_slice %arg5[%add3A_89, %dma_wait3A_168] : memref<104x128xi32, #tpu.memory_space<vmem>> -> memref<1x128xi32, #tpu.memory_space<vmem>>
      %dma_wait3A_170 = tpu.memref_squeeze %dma_wait3A_169 : memref<1x128xi32, #tpu.memory_space<vmem>> -> memref<128xi32, #tpu.memory_space<vmem>>
      %dma_wait3A_171 = arith.constant 0 : i32
      %dma_wait3A_172 = arith.constant 0 : i32
      %dma_wait3A_173 = tpu.memref_slice %arg2[%dma_wait3A_171, %dma_wait3A_172] : memref<1000000x32xf32, #tpu.memory_space<hbm>> -> memref<1000000x32xf32, #tpu.memory_space<hbm>>
      tpu.wait_indirect_dma semaphore(%arg7 : memref<!tpu.dma_semaphore, #tpu.memory_space<semaphore_mem>>) src(%dma_wait3A_173 : memref<1000000x32xf32, #tpu.memory_space<hbm>>) dst(%dma_wait3A_167 : memref<128x32xf32, #tpu.memory_space<vmem>>)
      %dma_wait3A_174 = arith.constant 896 : i32
      %dma_wait3A_175 = arith.constant 0 : i32
      %dma_wait3A_176 = tpu.memref_slice %arg6[%dma_wait3A_174, %dma_wait3A_175] : memref<1024x32xf32, #tpu.memory_space<vmem>> -> memref<128x32xf32, #tpu.memory_space<vmem>>
      %dma_wait3A_177 = arith.constant 0 : i32
      %dma_wait3A_178 = tpu.memref_slice %arg5[%add3A_102, %dma_wait3A_177] : memref<104x128xi32, #tpu.memory_space<vmem>> -> memref<1x128xi32, #tpu.memory_space<vmem>>
      %dma_wait3A_179 = tpu.memref_squeeze %dma_wait3A_178 : memref<1x128xi32, #tpu.memory_space<vmem>> -> memref<128xi32, #tpu.memory_space<vmem>>
      %dma_wait3A_180 = arith.constant 0 : i32
      %dma_wait3A_181 = arith.constant 0 : i32
      %dma_wait3A_182 = tpu.memref_slice %arg2[%dma_wait3A_180, %dma_wait3A_181] : memref<1000000x32xf32, #tpu.memory_space<hbm>> -> memref<1000000x32xf32, #tpu.memory_space<hbm>>
      tpu.wait_indirect_dma semaphore(%arg7 : memref<!tpu.dma_semaphore, #tpu.memory_space<semaphore_mem>>) src(%dma_wait3A_182 : memref<1000000x32xf32, #tpu.memory_space<hbm>>) dst(%dma_wait3A_176 : memref<128x32xf32, #tpu.memory_space<vmem>>)
      %mul3A_183 = arith.constant 1024 : i32
      %mul3A_184 = arith.muli %scan3A_8, %mul3A_183 : i32
      %add3A_185 = arith.addi %mul3A_2, %mul3A_184 : i32
      "tpu.region"() ({
        %run_scoped3A = tpu.sem_alloc : memref<!tpu.dma_semaphore, #tpu.memory_space<semaphore_mem>>
        %dma_start3A_186 = arith.constant 0 : i32
        %dma_start3A_187 = tpu.memref_slice %arg4[%add3A_185, %dma_start3A_186] : memref<425984x32xf32, #tpu.memory_space<hbm>> -> memref<1024x32xf32, #tpu.memory_space<hbm>>
        %dma_start3A_188 = arith.constant 0 : i32
        %dma_start3A_189 = tpu.memref_slice %arg4[%add3A_185, %dma_start3A_188] : memref<425984x32xf32, #tpu.memory_space<hbm>> -> memref<1024x32xf32, #tpu.memory_space<hbm>>
        tpu.enqueue_dma source(%arg6 : memref<1024x32xf32, #tpu.memory_space<vmem>>) target(%dma_start3A_189 : memref<1024x32xf32, #tpu.memory_space<hbm>>) target_semaphore(%run_scoped3A : memref<!tpu.dma_semaphore, #tpu.memory_space<semaphore_mem>>)
        %dma_wait3A_190 = arith.constant 0 : i32
        %dma_wait3A_191 = tpu.memref_slice %arg4[%add3A_185, %dma_wait3A_190] : memref<425984x32xf32, #tpu.memory_space<hbm>> -> memref<1024x32xf32, #tpu.memory_space<hbm>>
        %dma_wait3A_192 = arith.constant 0 : i32
        %dma_wait3A_193 = tpu.memref_slice %arg4[%add3A_185, %dma_wait3A_192] : memref<425984x32xf32, #tpu.memory_space<hbm>> -> memref<1024x32xf32, #tpu.memory_space<hbm>>
        tpu.wait_dma2 semaphore(%run_scoped3A : memref<!tpu.dma_semaphore, #tpu.memory_space<semaphore_mem>>) src(%arg6 : memref<1024x32xf32, #tpu.memory_space<vmem>>) dst(%dma_wait3A_193 : memref<1024x32xf32, #tpu.memory_space<hbm>>)
        tpu.yield
      }) : () -> ()
    }
    %scan3A_7 = arith.constant 13 : i32
    return
  }
}

module attributes {stable_mosaic.version = 14 : i64} {
  func.func @_tc_body(%arg0: i32, %arg1: memref<512x39xf32, #tpu.memory_space<vmem>>, %arg2: memref<512x26xi32, #tpu.memory_space<vmem>>, %arg3: memref<512x52xf32, #tpu.memory_space<vmem>>, %arg4: memref<512x832xf32, #tpu.memory_space<vmem>>, %arg5: memref<39x416xf32, #tpu.memory_space<vmem>>, %arg6: memref<52x832xf32, #tpu.memory_space<vmem>>, %arg7: memref<416x13xf32, #tpu.memory_space<vmem>>, %arg8: memref<13x416xf32, #tpu.memory_space<vmem>>, %arg9: memref<832x26xf32, #tpu.memory_space<vmem>>, %arg10: memref<26x832xf32, #tpu.memory_space<vmem>>, %arg11: memref<26x52xf32, #tpu.memory_space<vmem>>, %arg12: memref<39x13xf32, #tpu.memory_space<vmem>>, %arg13: memref<39x26xf32, #tpu.memory_space<vmem>>, %arg14: memref<1x416xf32, #tpu.memory_space<vmem>>, %arg15: memref<1x832xf32, #tpu.memory_space<vmem>>, %arg16: memref<1x416xf32, #tpu.memory_space<vmem>>, %arg17: memref<1x832xf32, #tpu.memory_space<vmem>>, %arg18: memref<1x416xf32, #tpu.memory_space<vmem>>, %arg19: memref<1x416xf32, #tpu.memory_space<vmem>>, %arg20: memref<1x832xf32, #tpu.memory_space<vmem>>, %arg21: memref<1x832xf32, #tpu.memory_space<vmem>>, %arg22: memref<512x1248xf32, #tpu.memory_space<vmem>>, %arg23: memref<512x39xf32, #tpu.memory_space<vmem>>, %arg24: memref<512x39xf32, #tpu.memory_space<vmem>>, %arg25: memref<512x78xf32, #tpu.memory_space<vmem>>) attributes {dimension_semantics = [#tpu.dimension_semantics<parallel>], iteration_bounds = array<i64: 32>, scalar_prefetch = 0 : i64, scratch_operands = 0 : i64, tpu.core_type = #tpu.core_type<tc>, window_params = [{transform_indices = @transform_0, window_bounds = array<i64: 512, 39>}, {transform_indices = @transform_1, window_bounds = array<i64: 512, 26>}, {transform_indices = @transform_2, window_bounds = array<i64: 512, 52>}, {transform_indices = @transform_3, window_bounds = array<i64: 512, 832>}, {pipeline_mode = #tpu.pipeline_mode<synchronous>, transform_indices = @transform_4, window_bounds = array<i64: 39, 416>}, {pipeline_mode = #tpu.pipeline_mode<synchronous>, transform_indices = @transform_5, window_bounds = array<i64: 52, 832>}, {pipeline_mode = #tpu.pipeline_mode<synchronous>, transform_indices = @transform_6, window_bounds = array<i64: 416, 13>}, {pipeline_mode = #tpu.pipeline_mode<synchronous>, transform_indices = @transform_7, window_bounds = array<i64: 13, 416>}, {pipeline_mode = #tpu.pipeline_mode<synchronous>, transform_indices = @transform_8, window_bounds = array<i64: 832, 26>}, {pipeline_mode = #tpu.pipeline_mode<synchronous>, transform_indices = @transform_9, window_bounds = array<i64: 26, 832>}, {pipeline_mode = #tpu.pipeline_mode<synchronous>, transform_indices = @transform_10, window_bounds = array<i64: 26, 52>}, {pipeline_mode = #tpu.pipeline_mode<synchronous>, transform_indices = @transform_11, window_bounds = array<i64: 39, 13>}, {pipeline_mode = #tpu.pipeline_mode<synchronous>, transform_indices = @transform_12, window_bounds = array<i64: 39, 26>}, {pipeline_mode = #tpu.pipeline_mode<synchronous>, transform_indices = @transform_13, window_bounds = array<i64: 1, 416>}, {pipeline_mode = #tpu.pipeline_mode<synchronous>, transform_indices = @transform_14, window_bounds = array<i64: 1, 832>}, {pipeline_mode = #tpu.pipeline_mode<synchronous>, transform_indices = @transform_15, window_bounds = array<i64: 1, 416>}, {pipeline_mode = #tpu.pipeline_mode<synchronous>, transform_indices = @transform_16, window_bounds = array<i64: 1, 832>}, {pipeline_mode = #tpu.pipeline_mode<synchronous>, transform_indices = @transform_17, window_bounds = array<i64: 1, 416>}, {pipeline_mode = #tpu.pipeline_mode<synchronous>, transform_indices = @transform_18, window_bounds = array<i64: 1, 416>}, {pipeline_mode = #tpu.pipeline_mode<synchronous>, transform_indices = @transform_19, window_bounds = array<i64: 1, 832>}, {pipeline_mode = #tpu.pipeline_mode<synchronous>, transform_indices = @transform_20, window_bounds = array<i64: 1, 832>}, {transform_indices = @transform_21, window_bounds = array<i64: 512, 1248>}, {transform_indices = @transform_22, window_bounds = array<i64: 512, 39>}, {transform_indices = @transform_23, window_bounds = array<i64: 512, 39>}, {transform_indices = @transform_24, window_bounds = array<i64: 512, 78>}]} {
    %get3A = arith.constant 0 : index
    %get3A_0 = arith.constant 0 : index
    %get3A_1 = vector.load %arg1[%get3A, %get3A_0] : memref<512x39xf32, #tpu.memory_space<vmem>>, vector<512x39xf32>
    %get3A_2 = arith.constant 0 : index
    %get3A_3 = arith.constant 0 : index
    %get3A_4 = vector.load %arg2[%get3A_2, %get3A_3] : memref<512x26xi32, #tpu.memory_space<vmem>>, vector<512x26xi32>
    %get3A_5 = arith.constant 0 : index
    %get3A_6 = arith.constant 0 : index
    %get3A_7 = vector.load %arg3[%get3A_5, %get3A_6] : memref<512x52xf32, #tpu.memory_space<vmem>>, vector<512x52xf32>
    %get3A_8 = arith.constant 0 : index
    %get3A_9 = arith.constant 0 : index
    %get3A_10 = vector.load %arg5[%get3A_8, %get3A_9] : memref<39x416xf32, #tpu.memory_space<vmem>>, vector<39x416xf32>
    %dot_general3A = arith.constant dense<0.000000e+00> : vector<512x416xf32>
    %dot_general3A_11 = tpu.matmul %get3A_1, %get3A_10, %dot_general3A {dimension_numbers = #tpu.dot_dimension_numbers<[1], [0], [0], [1], [0, 0, 1, 1], [], []>, transpose_lhs_hint = false} : vector<512x39xf32>, vector<39x416xf32>, vector<512x416xf32> -> vector<512x416xf32>
    %get3A_12 = arith.constant 0 : index
    %get3A_13 = arith.constant 0 : index
    %get3A_14 = vector.load %arg14[%get3A_12, %get3A_13] : memref<1x416xf32, #tpu.memory_space<vmem>>, vector<1x416xf32>
    %add3A = vector.broadcast %get3A_14 : vector<1x416xf32> to vector<512x416xf32>
    %add3A_15 = arith.addf %dot_general3A_11, %add3A : vector<512x416xf32>
    %mul3A = arith.constant 5.000000e-01 : f32
    %mul3A_16 = vector.broadcast %mul3A : f32 to vector<512x416xf32>
    %mul3A_17 = arith.mulf %mul3A_16, %add3A_15 : vector<512x416xf32>
    %mul3A_18 = arith.constant 0.707106769 : f32
    %mul3A_19 = vector.broadcast %mul3A_18 : f32 to vector<512x416xf32>
    %mul3A_20 = arith.mulf %add3A_15, %mul3A_19 : vector<512x416xf32>
    %erf3A = math.erf %mul3A_20 : vector<512x416xf32>
    %add3A_21 = arith.constant 1.000000e+00 : f32
    %add3A_22 = vector.broadcast %add3A_21 : f32 to vector<512x416xf32>
    %add3A_23 = arith.addf %add3A_22, %erf3A : vector<512x416xf32>
    %mul3A_24 = arith.mulf %mul3A_17, %add3A_23 : vector<512x416xf32>
    %get3A_25 = arith.constant 0 : index
    %get3A_26 = arith.constant 0 : index
    %get3A_27 = vector.load %arg16[%get3A_25, %get3A_26] : memref<1x416xf32, #tpu.memory_space<vmem>>, vector<1x416xf32>
    %add3A_28 = vector.broadcast %get3A_27 : vector<1x416xf32> to vector<512x416xf32>
    %add3A_29 = arith.addf %mul3A_24, %add3A_28 : vector<512x416xf32>
    %get3A_30 = arith.constant 0 : index
    %get3A_31 = arith.constant 0 : index
    %get3A_32 = vector.load %arg4[%get3A_30, %get3A_31] : memref<512x832xf32, #tpu.memory_space<vmem>>, vector<512x832xf32>
    %get3A_33 = arith.constant 0 : index
    %get3A_34 = arith.constant 0 : index
    %get3A_35 = vector.load %arg6[%get3A_33, %get3A_34] : memref<52x832xf32, #tpu.memory_space<vmem>>, vector<52x832xf32>
    %dot_general3A_36 = arith.constant dense<0.000000e+00> : vector<512x832xf32>
    %dot_general3A_37 = tpu.matmul %get3A_7, %get3A_35, %dot_general3A_36 {dimension_numbers = #tpu.dot_dimension_numbers<[1], [0], [0], [1], [0, 0, 1, 1], [], []>, transpose_lhs_hint = false} : vector<512x52xf32>, vector<52x832xf32>, vector<512x832xf32> -> vector<512x832xf32>
    %add3A_38 = arith.addf %get3A_32, %dot_general3A_37 : vector<512x832xf32>
    %get3A_39 = arith.constant 0 : index
    %get3A_40 = arith.constant 0 : index
    %get3A_41 = vector.load %arg15[%get3A_39, %get3A_40] : memref<1x832xf32, #tpu.memory_space<vmem>>, vector<1x832xf32>
    %add3A_42 = vector.broadcast %get3A_41 : vector<1x832xf32> to vector<512x832xf32>
    %add3A_43 = arith.addf %add3A_38, %add3A_42 : vector<512x832xf32>
    %mul3A_44 = arith.constant 5.000000e-01 : f32
    %mul3A_45 = vector.broadcast %mul3A_44 : f32 to vector<512x832xf32>
    %mul3A_46 = arith.mulf %mul3A_45, %add3A_43 : vector<512x832xf32>
    %mul3A_47 = arith.constant 0.707106769 : f32
    %mul3A_48 = vector.broadcast %mul3A_47 : f32 to vector<512x832xf32>
    %mul3A_49 = arith.mulf %add3A_43, %mul3A_48 : vector<512x832xf32>
    %erf3A_50 = math.erf %mul3A_49 : vector<512x832xf32>
    %add3A_51 = arith.constant 1.000000e+00 : f32
    %add3A_52 = vector.broadcast %add3A_51 : f32 to vector<512x832xf32>
    %add3A_53 = arith.addf %add3A_52, %erf3A_50 : vector<512x832xf32>
    %mul3A_54 = arith.mulf %mul3A_46, %add3A_53 : vector<512x832xf32>
    %get3A_55 = arith.constant 0 : index
    %get3A_56 = arith.constant 0 : index
    %get3A_57 = vector.load %arg17[%get3A_55, %get3A_56] : memref<1x832xf32, #tpu.memory_space<vmem>>, vector<1x832xf32>
    %add3A_58 = vector.broadcast %get3A_57 : vector<1x832xf32> to vector<512x832xf32>
    %add3A_59 = arith.addf %mul3A_54, %add3A_58 : vector<512x832xf32>
    %get3A_60 = arith.constant 0 : index
    %get3A_61 = arith.constant 0 : index
    %get3A_62 = vector.load %arg7[%get3A_60, %get3A_61] : memref<416x13xf32, #tpu.memory_space<vmem>>, vector<416x13xf32>
    %get3A_63 = arith.constant 0 : index
    %get3A_64 = arith.constant 0 : index
    %get3A_65 = vector.load %arg8[%get3A_63, %get3A_64] : memref<13x416xf32, #tpu.memory_space<vmem>>, vector<13x416xf32>
    %get3A_66 = arith.constant 0 : index
    %get3A_67 = arith.constant 0 : index
    %get3A_68 = vector.load %arg18[%get3A_66, %get3A_67] : memref<1x416xf32, #tpu.memory_space<vmem>>, vector<1x416xf32>
    %get3A_69 = arith.constant 0 : index
    %get3A_70 = arith.constant 0 : index
    %get3A_71 = vector.load %arg19[%get3A_69, %get3A_70] : memref<1x416xf32, #tpu.memory_space<vmem>>, vector<1x416xf32>
    %dot_general3A_72 = arith.constant dense<0.000000e+00> : vector<512x13xf32>
    %dot_general3A_73 = tpu.matmul %add3A_29, %get3A_62, %dot_general3A_72 {dimension_numbers = #tpu.dot_dimension_numbers<[1], [0], [0], [1], [0, 0, 1, 1], [], []>, transpose_lhs_hint = false} : vector<512x416xf32>, vector<416x13xf32>, vector<512x13xf32> -> vector<512x13xf32>
    %dot_general3A_74 = arith.constant dense<0.000000e+00> : vector<512x416xf32>
    %dot_general3A_75 = tpu.matmul %dot_general3A_73, %get3A_65, %dot_general3A_74 {dimension_numbers = #tpu.dot_dimension_numbers<[1], [0], [0], [1], [0, 0, 1, 1], [], []>, transpose_lhs_hint = false} : vector<512x13xf32>, vector<13x416xf32>, vector<512x416xf32> -> vector<512x416xf32>
    %mul3A_76 = arith.mulf %add3A_29, %add3A_29 : vector<512x416xf32>
    %dot_general3A_77 = arith.constant dense<0.000000e+00> : vector<512x13xf32>
    %dot_general3A_78 = tpu.matmul %mul3A_76, %get3A_62, %dot_general3A_77 {dimension_numbers = #tpu.dot_dimension_numbers<[1], [0], [0], [1], [0, 0, 1, 1], [], []>, transpose_lhs_hint = false} : vector<512x416xf32>, vector<416x13xf32>, vector<512x13xf32> -> vector<512x13xf32>
    %dot_general3A_79 = arith.constant dense<0.000000e+00> : vector<512x416xf32>
    %dot_general3A_80 = tpu.matmul %dot_general3A_78, %get3A_65, %dot_general3A_79 {dimension_numbers = #tpu.dot_dimension_numbers<[1], [0], [0], [1], [0, 0, 1, 1], [], []>, transpose_lhs_hint = false} : vector<512x13xf32>, vector<13x416xf32>, vector<512x416xf32> -> vector<512x416xf32>
    %mul3A_81 = arith.mulf %dot_general3A_75, %dot_general3A_75 : vector<512x416xf32>
    %sub3A = arith.subf %dot_general3A_80, %mul3A_81 : vector<512x416xf32>
    %sub3A_82 = arith.subf %add3A_29, %dot_general3A_75 : vector<512x416xf32>
    %add3A_83 = arith.constant 9.99999974E-6 : f32
    %add3A_84 = vector.broadcast %add3A_83 : f32 to vector<512x416xf32>
    %add3A_85 = arith.addf %sub3A, %add3A_84 : vector<512x416xf32>
    %rsqrt3A = math.rsqrt %add3A_85 : vector<512x416xf32>
    %mul3A_86 = arith.mulf %sub3A_82, %rsqrt3A : vector<512x416xf32>
    %mul3A_87 = vector.broadcast %get3A_68 : vector<1x416xf32> to vector<512x416xf32>
    %mul3A_88 = arith.mulf %mul3A_86, %mul3A_87 : vector<512x416xf32>
    %add3A_89 = vector.broadcast %get3A_71 : vector<1x416xf32> to vector<512x416xf32>
    %add3A_90 = arith.addf %mul3A_88, %add3A_89 : vector<512x416xf32>
    %swap3A = arith.constant 0 : index
    %swap3A_91 = arith.constant 0 : index
    %swap3A_92 = vector.load %arg22[%swap3A, %swap3A_91] : memref<512x1248xf32, #tpu.memory_space<vmem>>, vector<512x416xf32>
    tpu.vector_store %arg22[%swap3A, %swap3A_91], %add3A_90 {strides = array<i32>} : memref<512x1248xf32, #tpu.memory_space<vmem>>, vector<512x416xf32>,
    %get3A_93 = arith.constant 0 : index
    %get3A_94 = arith.constant 0 : index
    %get3A_95 = vector.load %arg9[%get3A_93, %get3A_94] : memref<832x26xf32, #tpu.memory_space<vmem>>, vector<832x26xf32>
    %get3A_96 = arith.constant 0 : index
    %get3A_97 = arith.constant 0 : index
    %get3A_98 = vector.load %arg10[%get3A_96, %get3A_97] : memref<26x832xf32, #tpu.memory_space<vmem>>, vector<26x832xf32>
    %get3A_99 = arith.constant 0 : index
    %get3A_100 = arith.constant 0 : index
    %get3A_101 = vector.load %arg20[%get3A_99, %get3A_100] : memref<1x832xf32, #tpu.memory_space<vmem>>, vector<1x832xf32>
    %get3A_102 = arith.constant 0 : index
    %get3A_103 = arith.constant 0 : index
    %get3A_104 = vector.load %arg21[%get3A_102, %get3A_103] : memref<1x832xf32, #tpu.memory_space<vmem>>, vector<1x832xf32>
    %dot_general3A_105 = arith.constant dense<0.000000e+00> : vector<512x26xf32>
    %dot_general3A_106 = tpu.matmul %add3A_59, %get3A_95, %dot_general3A_105 {dimension_numbers = #tpu.dot_dimension_numbers<[1], [0], [0], [1], [0, 0, 1, 1], [], []>, transpose_lhs_hint = false} : vector<512x832xf32>, vector<832x26xf32>, vector<512x26xf32> -> vector<512x26xf32>
    %dot_general3A_107 = arith.constant dense<0.000000e+00> : vector<512x832xf32>
    %dot_general3A_108 = tpu.matmul %dot_general3A_106, %get3A_98, %dot_general3A_107 {dimension_numbers = #tpu.dot_dimension_numbers<[1], [0], [0], [1], [0, 0, 1, 1], [], []>, transpose_lhs_hint = false} : vector<512x26xf32>, vector<26x832xf32>, vector<512x832xf32> -> vector<512x832xf32>
    %mul3A_109 = arith.mulf %add3A_59, %add3A_59 : vector<512x832xf32>
    %dot_general3A_110 = arith.constant dense<0.000000e+00> : vector<512x26xf32>
    %dot_general3A_111 = tpu.matmul %mul3A_109, %get3A_95, %dot_general3A_110 {dimension_numbers = #tpu.dot_dimension_numbers<[1], [0], [0], [1], [0, 0, 1, 1], [], []>, transpose_lhs_hint = false} : vector<512x832xf32>, vector<832x26xf32>, vector<512x26xf32> -> vector<512x26xf32>
    %dot_general3A_112 = arith.constant dense<0.000000e+00> : vector<512x832xf32>
    %dot_general3A_113 = tpu.matmul %dot_general3A_111, %get3A_98, %dot_general3A_112 {dimension_numbers = #tpu.dot_dimension_numbers<[1], [0], [0], [1], [0, 0, 1, 1], [], []>, transpose_lhs_hint = false} : vector<512x26xf32>, vector<26x832xf32>, vector<512x832xf32> -> vector<512x832xf32>
    %mul3A_114 = arith.mulf %dot_general3A_108, %dot_general3A_108 : vector<512x832xf32>
    %sub3A_115 = arith.subf %dot_general3A_113, %mul3A_114 : vector<512x832xf32>
    %sub3A_116 = arith.subf %add3A_59, %dot_general3A_108 : vector<512x832xf32>
    %add3A_117 = arith.constant 9.99999974E-6 : f32
    %add3A_118 = vector.broadcast %add3A_117 : f32 to vector<512x832xf32>
    %add3A_119 = arith.addf %sub3A_115, %add3A_118 : vector<512x832xf32>
    %rsqrt3A_120 = math.rsqrt %add3A_119 : vector<512x832xf32>
    %mul3A_121 = arith.mulf %sub3A_116, %rsqrt3A_120 : vector<512x832xf32>
    %mul3A_122 = vector.broadcast %get3A_101 : vector<1x832xf32> to vector<512x832xf32>
    %mul3A_123 = arith.mulf %mul3A_121, %mul3A_122 : vector<512x832xf32>
    %add3A_124 = vector.broadcast %get3A_104 : vector<1x832xf32> to vector<512x832xf32>
    %add3A_125 = arith.addf %mul3A_123, %add3A_124 : vector<512x832xf32>
    %swap3A_126 = arith.constant 0 : index
    %swap3A_127 = arith.constant 416 : index
    %swap3A_128 = vector.load %arg22[%swap3A_126, %swap3A_127] : memref<512x1248xf32, #tpu.memory_space<vmem>>, vector<512x832xf32>
    tpu.vector_store %arg22[%swap3A_126, %swap3A_127], %add3A_125 {strides = array<i32>} : memref<512x1248xf32, #tpu.memory_space<vmem>>, vector<512x832xf32>,
    %convert_element_type3A = arith.sitofp %get3A_4 : vector<512x26xi32> to vector<512x26xf32>
    %get3A_129 = arith.constant 0 : index
    %get3A_130 = arith.constant 0 : index
    %get3A_131 = vector.load %arg12[%get3A_129, %get3A_130] : memref<39x13xf32, #tpu.memory_space<vmem>>, vector<39x13xf32>
    %dot_general3A_132 = arith.constant dense<0.000000e+00> : vector<512x13xf32>
    %dot_general3A_133 = tpu.matmul %get3A_1, %get3A_131, %dot_general3A_132 {dimension_numbers = #tpu.dot_dimension_numbers<[1], [0], [0], [1], [0, 0, 1, 1], [], []>, transpose_lhs_hint = false} : vector<512x39xf32>, vector<39x13xf32>, vector<512x13xf32> -> vector<512x13xf32>
    %swap3A_134 = arith.constant 0 : index
    %swap3A_135 = arith.constant 0 : index
    %swap3A_136 = vector.load %arg23[%swap3A_134, %swap3A_135] : memref<512x39xf32, #tpu.memory_space<vmem>>, vector<512x13xf32>
    tpu.vector_store %arg23[%swap3A_134, %swap3A_135], %dot_general3A_133 {strides = array<i32>} : memref<512x39xf32, #tpu.memory_space<vmem>>, vector<512x13xf32>,
    %swap3A_137 = arith.constant 0 : index
    %swap3A_138 = arith.constant 13 : index
    %swap3A_139 = vector.load %arg23[%swap3A_137, %swap3A_138] : memref<512x39xf32, #tpu.memory_space<vmem>>, vector<512x26xf32>
    tpu.vector_store %arg23[%swap3A_137, %swap3A_138], %convert_element_type3A {strides = array<i32>} : memref<512x39xf32, #tpu.memory_space<vmem>>, vector<512x26xf32>,
    %iota3A = tpu.iota {dimensions = array<i32: 1>} : vector<512x39xi32>
    %lt3A = arith.constant 13 : i32
    %lt3A_140 = vector.broadcast %lt3A : i32 to vector<512x39xi32>
    %lt3A_141 = arith.cmpi slt, %iota3A, %lt3A_140 : vector<512x39xi32>
    %jit3A = arith.constant 1.000000e+00 : f32
    %jit3A_142 = arith.constant 0.000000e+00 : f32
    %broadcast_in_dim3A = vector.broadcast %jit3A : f32 to vector<512x39xf32>
    %broadcast_in_dim3A_143 = vector.broadcast %jit3A_142 : f32 to vector<512x39xf32>
    %select_n3A = arith.select %lt3A_141, %broadcast_in_dim3A, %broadcast_in_dim3A_143 : vector<512x39xi1>, vector<512x39xf32>
    %swap3A_144 = arith.constant 0 : index
    %swap3A_145 = arith.constant 0 : index
    %swap3A_146 = vector.load %arg24[%swap3A_144, %swap3A_145] : memref<512x39xf32, #tpu.memory_space<vmem>>, vector<512x39xf32>
    tpu.vector_store %arg24[%swap3A_144, %swap3A_145], %select_n3A {strides = array<i32>} : memref<512x39xf32, #tpu.memory_space<vmem>>, vector<512x39xf32>,
    %get3A_147 = arith.constant 0 : index
    %get3A_148 = arith.constant 0 : index
    %get3A_149 = vector.load %arg13[%get3A_147, %get3A_148] : memref<39x26xf32, #tpu.memory_space<vmem>>, vector<39x26xf32>
    %dot_general3A_150 = arith.constant dense<0.000000e+00> : vector<512x26xf32>
    %dot_general3A_151 = tpu.matmul %get3A_1, %get3A_149, %dot_general3A_150 {dimension_numbers = #tpu.dot_dimension_numbers<[1], [0], [0], [1], [0, 0, 1, 1], [], []>, transpose_lhs_hint = false} : vector<512x39xf32>, vector<39x26xf32>, vector<512x26xf32> -> vector<512x26xf32>
    %swap3A_152 = arith.constant 0 : index
    %swap3A_153 = arith.constant 0 : index
    %swap3A_154 = vector.load %arg25[%swap3A_152, %swap3A_153] : memref<512x78xf32, #tpu.memory_space<vmem>>, vector<512x26xf32>
    tpu.vector_store %arg25[%swap3A_152, %swap3A_153], %dot_general3A_151 {strides = array<i32>} : memref<512x78xf32, #tpu.memory_space<vmem>>, vector<512x26xf32>,
    %jit3A_155 = arith.constant 2 : i32
    %eq3A = arith.constant 0 : i32
    %eq3A_156 = arith.cmpi eq, %jit3A_155, %eq3A : i32
    %jit3A_157 = arith.constant 1 : i32
    %select_n3A_158 = arith.select %eq3A_156, %jit3A_157, %jit3A_155 : i32
    %rem3A = vector.broadcast %select_n3A_158 : i32 to vector<512x26xi32>
    %rem3A_159 = arith.remsi %get3A_4, %rem3A : vector<512x26xi32>
    %ne3A = arith.constant 0 : i32
    %ne3A_160 = vector.broadcast %ne3A : i32 to vector<512x26xi32>
    %ne3A_161 = arith.cmpi ne, %rem3A_159, %ne3A_160 : vector<512x26xi32>
    %lt3A_162 = arith.constant 0 : i32
    %lt3A_163 = vector.broadcast %lt3A_162 : i32 to vector<512x26xi32>
    %lt3A_164 = arith.cmpi slt, %rem3A_159, %lt3A_163 : vector<512x26xi32>
    %lt3A_165 = arith.constant 0 : i32
    %lt3A_166 = arith.cmpi slt, %select_n3A_158, %lt3A_165 : i32
    %ne3A_167 = vector.broadcast %lt3A_166 : i1 to vector<512x26xi1>
    %ne3A_168 = vector.broadcast %ne3A_167 : vector<512x26xi1> to vector<512x26xi1>
    %ne3A_169 = arith.xori %lt3A_164, %ne3A_168 : vector<512x26xi1>
    %and3A = arith.andi %ne3A_169, %ne3A_161 : vector<512x26xi1>
    %add3A_170 = vector.broadcast %select_n3A_158 : i32 to vector<512x26xi32>
    %add3A_171 = arith.addi %rem3A_159, %add3A_170 : vector<512x26xi32>
    %select_n3A_172 = arith.select %and3A, %add3A_171, %rem3A_159 : vector<512x26xi1>, vector<512x26xi32>
    %mul3A_173 = arith.constant 2 : i32
    %mul3A_174 = vector.broadcast %mul3A_173 : i32 to vector<512x26xi32>
    %mul3A_175 = arith.muli %select_n3A_172, %mul3A_174 : vector<512x26xi32>
    %sub3A_176 = arith.constant 1 : i32
    %sub3A_177 = vector.broadcast %sub3A_176 : i32 to vector<512x26xi32>
    %sub3A_178 = arith.subi %mul3A_175, %sub3A_177 : vector<512x26xi32>
    %convert_element_type3A_179 = arith.sitofp %sub3A_178 : vector<512x26xi32> to vector<512x26xf32>
    %get3A_180 = arith.constant 0 : index
    %get3A_181 = arith.constant 0 : index
    %get3A_182 = vector.load %arg11[%get3A_180, %get3A_181] : memref<26x52xf32, #tpu.memory_space<vmem>>, vector<26x52xf32>
    %dot_general3A_183 = arith.constant dense<0.000000e+00> : vector<512x52xf32>
    %dot_general3A_184 = tpu.matmul %convert_element_type3A_179, %get3A_182, %dot_general3A_183 {dimension_numbers = #tpu.dot_dimension_numbers<[1], [0], [0], [1], [0, 0, 1, 1], [], []>, transpose_lhs_hint = false} : vector<512x26xf32>, vector<26x52xf32>, vector<512x52xf32> -> vector<512x52xf32>
    %iota3A_185 = tpu.iota {dimensions = array<i32: 1>} : vector<512x52xi32>
    %jit3A_186 = arith.constant 2 : i32
    %eq3A_187 = arith.constant 0 : i32
    %eq3A_188 = arith.cmpi eq, %jit3A_186, %eq3A_187 : i32
    %jit3A_189 = arith.constant 1 : i32
    %select_n3A_190 = arith.select %eq3A_188, %jit3A_189, %jit3A_186 : i32
    %rem3A_191 = vector.broadcast %select_n3A_190 : i32 to vector<512x52xi32>
    %rem3A_192 = arith.remsi %iota3A_185, %rem3A_191 : vector<512x52xi32>
    %ne3A_193 = arith.constant 0 : i32
    %ne3A_194 = vector.broadcast %ne3A_193 : i32 to vector<512x52xi32>
    %ne3A_195 = arith.cmpi ne, %rem3A_192, %ne3A_194 : vector<512x52xi32>
    %lt3A_196 = arith.constant 0 : i32
    %lt3A_197 = vector.broadcast %lt3A_196 : i32 to vector<512x52xi32>
    %lt3A_198 = arith.cmpi slt, %rem3A_192, %lt3A_197 : vector<512x52xi32>
    %lt3A_199 = arith.constant 0 : i32
    %lt3A_200 = arith.cmpi slt, %select_n3A_190, %lt3A_199 : i32
    %ne3A_201 = vector.broadcast %lt3A_200 : i1 to vector<512x52xi1>
    %ne3A_202 = vector.broadcast %ne3A_201 : vector<512x52xi1> to vector<512x52xi1>
    %ne3A_203 = arith.xori %lt3A_198, %ne3A_202 : vector<512x52xi1>
    %and3A_204 = arith.andi %ne3A_203, %ne3A_195 : vector<512x52xi1>
    %add3A_205 = vector.broadcast %select_n3A_190 : i32 to vector<512x52xi32>
    %add3A_206 = arith.addi %rem3A_192, %add3A_205 : vector<512x52xi32>
    %select_n3A_207 = arith.select %and3A_204, %add3A_206, %rem3A_192 : vector<512x52xi1>, vector<512x52xi32>
    %eq3A_208 = arith.constant 0 : i32
    %eq3A_209 = vector.broadcast %eq3A_208 : i32 to vector<512x52xi32>
    %eq3A_210 = arith.cmpi eq, %select_n3A_207, %eq3A_209 : vector<512x52xi32>
    %mul3A_211 = arith.constant 5.000000e-01 : f32
    %mul3A_212 = vector.broadcast %mul3A_211 : f32 to vector<512x52xf32>
    %mul3A_213 = arith.mulf %mul3A_212, %get3A_7 : vector<512x52xf32>
    %sub3A_214 = arith.constant 5.000000e-01 : f32
    %sub3A_215 = vector.broadcast %sub3A_214 : f32 to vector<512x52xf32>
    %sub3A_216 = arith.subf %sub3A_215, %mul3A_213 : vector<512x52xf32>
    %mul3A_217 = arith.mulf %dot_general3A_184, %sub3A_216 : vector<512x52xf32>
    %add3A_218 = arith.constant 5.000000e-01 : f32
    %add3A_219 = vector.broadcast %add3A_218 : f32 to vector<512x52xf32>
    %add3A_220 = arith.addf %add3A_219, %mul3A_217 : vector<512x52xf32>
    %select_n3A_221 = arith.select %eq3A_210, %add3A_220, %get3A_7 : vector<512x52xi1>, vector<512x52xf32>
    %swap3A_222 = arith.constant 0 : index
    %swap3A_223 = arith.constant 26 : index
    %swap3A_224 = vector.load %arg25[%swap3A_222, %swap3A_223] : memref<512x78xf32, #tpu.memory_space<vmem>>, vector<512x52xf32>
    tpu.vector_store %arg25[%swap3A_222, %swap3A_223], %select_n3A_221 {strides = array<i32>} : memref<512x78xf32, #tpu.memory_space<vmem>>, vector<512x52xf32>,
    return
  }
  func.func @transform_0(%arg0: i32) -> (i32, i32) {
    %c0_i32 = arith.constant 0 : i32
    %c0_i32_0 = arith.constant 0 : i32
    return %arg0, %c0_i32 : i32, i32
  }
  func.func @transform_1(%arg0: i32) -> (i32, i32) {
    %c0_i32 = arith.constant 0 : i32
    %c0_i32_0 = arith.constant 0 : i32
    return %arg0, %c0_i32 : i32, i32
  }
  func.func @transform_2(%arg0: i32) -> (i32, i32) {
    %c0_i32 = arith.constant 0 : i32
    %c0_i32_0 = arith.constant 0 : i32
    return %arg0, %c0_i32 : i32, i32
  }
  func.func @transform_3(%arg0: i32) -> (i32, i32) {
    %c0_i32 = arith.constant 0 : i32
    %c0_i32_0 = arith.constant 0 : i32
    return %arg0, %c0_i32 : i32, i32
  }
  func.func @transform_4(%arg0: i32) -> (i32, i32) {
    %c0_i32 = arith.constant 0 : i32
    %c0_i32_0 = arith.constant 0 : i32
    %c0_i32_1 = arith.constant 0 : i32
    return %c0_i32, %c0_i32_0 : i32, i32
  }
  func.func @transform_5(%arg0: i32) -> (i32, i32) {
    %c0_i32 = arith.constant 0 : i32
    %c0_i32_0 = arith.constant 0 : i32
    %c0_i32_1 = arith.constant 0 : i32
    return %c0_i32, %c0_i32_0 : i32, i32
  }
  func.func @transform_6(%arg0: i32) -> (i32, i32) {
    %c0_i32 = arith.constant 0 : i32
    %c0_i32_0 = arith.constant 0 : i32
    %c0_i32_1 = arith.constant 0 : i32
    return %c0_i32, %c0_i32_0 : i32, i32
  }
  func.func @transform_7(%arg0: i32) -> (i32, i32) {
    %c0_i32 = arith.constant 0 : i32
    %c0_i32_0 = arith.constant 0 : i32
    %c0_i32_1 = arith.constant 0 : i32
    return %c0_i32, %c0_i32_0 : i32, i32
  }
  func.func @transform_8(%arg0: i32) -> (i32, i32) {
    %c0_i32 = arith.constant 0 : i32
    %c0_i32_0 = arith.constant 0 : i32
    %c0_i32_1 = arith.constant 0 : i32
    return %c0_i32, %c0_i32_0 : i32, i32
  }
  func.func @transform_9(%arg0: i32) -> (i32, i32) {
    %c0_i32 = arith.constant 0 : i32
    %c0_i32_0 = arith.constant 0 : i32
    %c0_i32_1 = arith.constant 0 : i32
    return %c0_i32, %c0_i32_0 : i32, i32
  }
  func.func @transform_10(%arg0: i32) -> (i32, i32) {
    %c0_i32 = arith.constant 0 : i32
    %c0_i32_0 = arith.constant 0 : i32
    %c0_i32_1 = arith.constant 0 : i32
    return %c0_i32, %c0_i32_0 : i32, i32
  }
  func.func @transform_11(%arg0: i32) -> (i32, i32) {
    %c0_i32 = arith.constant 0 : i32
    %c0_i32_0 = arith.constant 0 : i32
    %c0_i32_1 = arith.constant 0 : i32
    return %c0_i32, %c0_i32_0 : i32, i32
  }
  func.func @transform_12(%arg0: i32) -> (i32, i32) {
    %c0_i32 = arith.constant 0 : i32
    %c0_i32_0 = arith.constant 0 : i32
    %c0_i32_1 = arith.constant 0 : i32
    return %c0_i32, %c0_i32_0 : i32, i32
  }
  func.func @transform_13(%arg0: i32) -> (i32, i32) {
    %c0_i32 = arith.constant 0 : i32
    %c0_i32_0 = arith.constant 0 : i32
    %c0_i32_1 = arith.constant 0 : i32
    return %c0_i32, %c0_i32_0 : i32, i32
  }
  func.func @transform_14(%arg0: i32) -> (i32, i32) {
    %c0_i32 = arith.constant 0 : i32
    %c0_i32_0 = arith.constant 0 : i32
    %c0_i32_1 = arith.constant 0 : i32
    return %c0_i32, %c0_i32_0 : i32, i32
  }
  func.func @transform_15(%arg0: i32) -> (i32, i32) {
    %c0_i32 = arith.constant 0 : i32
    %c0_i32_0 = arith.constant 0 : i32
    %c0_i32_1 = arith.constant 0 : i32
    return %c0_i32, %c0_i32_0 : i32, i32
  }
  func.func @transform_16(%arg0: i32) -> (i32, i32) {
    %c0_i32 = arith.constant 0 : i32
    %c0_i32_0 = arith.constant 0 : i32
    %c0_i32_1 = arith.constant 0 : i32
    return %c0_i32, %c0_i32_0 : i32, i32
  }
  func.func @transform_17(%arg0: i32) -> (i32, i32) {
    %c0_i32 = arith.constant 0 : i32
    %c0_i32_0 = arith.constant 0 : i32
    %c0_i32_1 = arith.constant 0 : i32
    return %c0_i32, %c0_i32_0 : i32, i32
  }
  func.func @transform_18(%arg0: i32) -> (i32, i32) {
    %c0_i32 = arith.constant 0 : i32
    %c0_i32_0 = arith.constant 0 : i32
    %c0_i32_1 = arith.constant 0 : i32
    return %c0_i32, %c0_i32_0 : i32, i32
  }
  func.func @transform_19(%arg0: i32) -> (i32, i32) {
    %c0_i32 = arith.constant 0 : i32
    %c0_i32_0 = arith.constant 0 : i32
    %c0_i32_1 = arith.constant 0 : i32
    return %c0_i32, %c0_i32_0 : i32, i32
  }
  func.func @transform_20(%arg0: i32) -> (i32, i32) {
    %c0_i32 = arith.constant 0 : i32
    %c0_i32_0 = arith.constant 0 : i32
    %c0_i32_1 = arith.constant 0 : i32
    return %c0_i32, %c0_i32_0 : i32, i32
  }
  func.func @transform_21(%arg0: i32) -> (i32, i32) {
    %c0_i32 = arith.constant 0 : i32
    %c0_i32_0 = arith.constant 0 : i32
    return %arg0, %c0_i32 : i32, i32
  }
  func.func @transform_22(%arg0: i32) -> (i32, i32) {
    %c0_i32 = arith.constant 0 : i32
    %c0_i32_0 = arith.constant 0 : i32
    return %arg0, %c0_i32 : i32, i32
  }
  func.func @transform_23(%arg0: i32) -> (i32, i32) {
    %c0_i32 = arith.constant 0 : i32
    %c0_i32_0 = arith.constant 0 : i32
    return %arg0, %c0_i32 : i32, i32
  }
  func.func @transform_24(%arg0: i32) -> (i32, i32) {
    %c0_i32 = arith.constant 0 : i32
    %c0_i32_0 = arith.constant 0 : i32
    return %arg0, %c0_i32 : i32, i32
  }
}

</mosaic_0001>

<sc_bundles>
// kernel: kernel.4.cloned.1.call-start
scs
__scs_entry_jumppad:
0x0: {  	(pc) =	sbr.rel $0x88, $3  }
0x1: {  	(tag) =	ssettag $0x0;
	lr =	simm.s32 $0x1  }
0x2: {  	[smem:$0x3F96] =	sst lr;
	_ =	strace $0xD0000000  }
0x3: {  	_ = 	snop  }
0x4: {  	_ = 	snop  }
0x5: {  	_ = 	snop  }
0x6: {  	_ = 	snop  }
0x7: {  	_ = 	snop  }
__scs_overlays_trampoline_lowered:
0x8: {  	[smem:$0x3FA5] =	sst s0  }
0x9: {  	[smem:$0x3FA6] =	sst s1  }
0xa: {  	[smem:$0x3FA7] =	sst s2  }
0xb: {  	[smem:$0x3FA8] =	sst s3  }
0xc: {  	[smem:$0x3FA9] =	sst s4  }
0xd: {  	[smem:$0x3FAA] =	sst s5  }
0xe: {  	[smem:$0x3FAB] =	sst s6  }
0xf: {  	[smem:$0x3FAC] =	sst s7  }
0x10: {  	[smem:$0x3FAD] =	sst s8  }
0x11: {  	[smem:$0x3FAE] =	sst s9;
	s0 =	simm.s32 @!p0 $0x0  }
0x12: {  	s1 =	sld [smem:$0x3F94];
	s0 =	simm.s32 @p0 $0x1  }
0x13: {  	[smem:$0x3FAF] =	sst s0;
	s0 =	simm.s32 @!p1 $0x0  }
0x14: {  	s2 =	sld [smem:$0x3F93];
	s0 =	simm.s32 @p1 $0x1  }
0x15: {  	[smem:$0x3FB0] =	sst s0;
	s0 =	simm.s32 @!p2 $0x0  }
0x16: {  	s3 =	sld [smem:$0x3FDB];
	s0 =	simm.s32 @p2 $0x1  }
0x17: {  	s4 =	simm.s32 $0x1BF5;
	[smem:$0x3FB2] =	sst s0  }
0x18: {  	s0 =	sld [smem:$0x3F95];
	_ =	swait.ge [sflag:s4], $0x0  }
0x19: {  	s7 =	sld [smem:$0x3F96]  }
0x1a: {  	s8 =	sadd.s32 $0xFFFFE003, lr  }
0x1b: {  	s9 =	sadd.s32 $0xFFFFFEF7, lr;
	s5 =	simm.s32 $0xFFFFFFFF;
	p2 =	slt.u32 s8, $0xFFFFF086  }
0x1c: {  	p1 =	slt.u32 s9, $0xF7A;
	s5 =	simm.s32 @!p2 $0x0  }
0x1d: {  	s5 =	simm.s32 @p1 $0x1;
	p0 =	seq.s32 s7, s2  }
0x1e: {  	s7 =	smul.u32 @!p0 $0xF7A, s2;
	p2 =	seq.s32 @!p0 s5, $0x0  }
0x1f: {  	s9 =	smul.u32 $0xF7A, s1;
	s8 =	simm.s32 @!p0 $0x1BF5;
	p2 =	por !p2, p0  }
0x20: {  	[sflag:s8] =	ssyncset.s32 @!p0 $0xFFFFF086;
	s6 =	sadd.s32 @!p0 s3, s7;
	s7 =	simm.s32 @!p0 $0x108  }
0x21: {  	s3 =	sadd.s32 s3, s9;
	s6 =	sadd.s32 @!p0 $0x88, s6;
	s7 =	simm.s32 @p2 $0x1082  }
0x22: {  	[simem:s7], [sflag:s8] =	dma.local @!p0 [hbm:s6], $0xF7A  }
0x23: {  	s9 =	sor.u32 $0xD0000000, s2;
	s6 =	simm.s32 $0x108;
	_ =	swait.ge @!p0 [sflag:s8], $0x0  }
0x24: {  	s3 =	sadd.s32 $0x88, s3;
	s6 =	simm.s32 @!p1 $0x1082;
	[sflag:s4] =	ssyncset.s32 $0xFFFFF086  }
0x25: {  	[simem:s6], [sflag:s4] =	dma.local [hbm:s3], $0xF7A  }
0x26: {  	[smem:$0x3F96] =	sst s1;
	(tag) =	ssettag s2;
	_ =	strace s9  }
0x27: {  	s1 =	sld [smem:$0x3FA6]  }
0x28: {  	s2 =	sld [smem:$0x3FA7]  }
0x29: {  	s4 =	sld [smem:$0x3FA9]  }
0x2a: {  	p0 =	seq.s32 s5, $0x0;
	s5 =	sld [smem:$0x3FAA]  }
0x2b: {  	s6 =	sld [smem:$0x3FAB]  }
0x2c: {  	s7 =	sld [smem:$0x3FAC]  }
0x2d: {  	s3 =	simm.s32 $0x108;
	s8 =	sld [smem:$0x3FAD]  }
0x2e: {  	s3 =	simm.s32 @!p0 $0x1082;
	s9 =	sld [smem:$0x3FAE]  }
0x2f: {  	lr =	sadd.s32 s0, s3;
	s0 =	sld [smem:$0x3FA5]  }
0x30: {  	s3 =	sld [smem:$0x3FA8]  }
0x31: {  	[smem:$0x3FB1] =	sst s10  }
0x32: {  	s10 =	sld [smem:$0x3FAF];
	_ =	sdelay $0x3  }
0x33: {  	p0 =	seq.s32 s10, $0x1;
	s10 =	sld [smem:$0x3FB1];
	_ =	sdelay $0x3  }
0x34: {  	[smem:$0x3FB1] =	sst s10  }
0x35: {  	s10 =	sld [smem:$0x3FB0];
	_ =	sdelay $0x3  }
0x36: {  	p1 =	seq.s32 s10, $0x1;
	s10 =	sld [smem:$0x3FB1];
	_ =	sdelay $0x3  }
0x37: {  	[smem:$0x3FB1] =	sst s10  }
0x38: {  	s10 =	sld [smem:$0x3FB2]  }
0x39: {  	_ = 	snop;
	(pc) =	sbr.ind lr, $3  }
0x3a: {  	_ = 	snop  }
0x3b: {  	_ = 	snop  }
0x3c: {  	p2 =	seq.s32 s10, $0x1;
	s10 =	sld [smem:$0x3FB1]  }
0x3d: {  	_ =	shalt  }
0x3e: {  	_ =	shalt  }
0x3f: {  	_ =	shalt  }
0x40: {  	_ =	shalt  }
0x41: {  	_ =	shalt  }
0x42: {  	_ =	shalt  }
0x43: {  	_ =	shalt  }
0x44: {  	_ =	shalt  }
0x45: {  	_ =	shalt  }
0x46: {  	_ =	shalt  }
0x47: {  	_ =	shalt  }
0x48: {  	_ =	shalt  }
0x49: {  	_ =	shalt  }
0x4a: {  	_ =	shalt  }
0x4b: {  	_ =	shalt  }
0x4c: {  	_ =	shalt  }
0x4d: {  	_ =	shalt  }
0x4e: {  	_ =	shalt  }
0x4f: {  	_ =	shalt  }
0x50: {  	_ =	shalt  }
0x51: {  	_ =	shalt  }
0x52: {  	_ =	shalt  }
0x53: {  	_ =	shalt  }
0x54: {  	_ =	shalt  }
0x55: {  	_ =	shalt  }
0x56: {  	_ =	shalt  }
0x57: {  	_ =	shalt  }
0x58: {  	_ =	shalt  }
0x59: {  	_ =	shalt  }
0x5a: {  	_ =	shalt  }
0x5b: {  	_ =	shalt  }
0x5c: {  	_ =	shalt  }
0x5d: {  	_ =	shalt  }
0x5e: {  	_ =	shalt  }
0x5f: {  	_ =	shalt  }
0x60: {  	_ =	shalt  }
0x61: {  	_ =	shalt  }
0x62: {  	_ =	shalt  }
0x63: {  	_ =	shalt  }
0x64: {  	_ =	shalt  }
0x65: {  	_ =	shalt  }
0x66: {  	_ =	shalt  }
0x67: {  	_ =	shalt  }
0x68: {  	_ =	shalt  }
0x69: {  	_ =	shalt  }
0x6a: {  	_ =	shalt  }
0x6b: {  	_ =	shalt  }
0x6c: {  	_ =	shalt  }
0x6d: {  	_ =	shalt  }
0x6e: {  	_ =	shalt  }
0x6f: {  	_ =	shalt  }
0x70: {  	_ =	shalt  }
0x71: {  	_ =	shalt  }
0x72: {  	_ =	shalt  }
0x73: {  	_ =	shalt  }
0x74: {  	_ =	shalt  }
0x75: {  	_ =	shalt  }
0x76: {  	_ =	shalt  }
0x77: {  	_ =	shalt  }
0x78: {  	_ =	shalt  }
0x79: {  	_ =	shalt  }
0x7a: {  	_ =	shalt  }
0x7b: {  	_ =	shalt  }
0x7c: {  	_ =	shalt  }
0x7d: {  	_ =	shalt  }
0x7e: {  	_ =	shalt  }
0x7f: {  	_ =	shalt  }
0x80: {  	_ =	shalt  }
0x81: {  	_ =	shalt  }
0x82: {  	_ =	shalt  }
0x83: {  	_ =	shalt  }
0x84: {  	_ =	shalt  }
0x85: {  	_ =	shalt  }
0x86: {  	_ =	shalt  }
0x87: {  	_ =	shalt  }
.Lfunc_end0:
.L_simem_size_0:
called_computation_lowered:
.L_overlay_start_0:
0x88: {  	s2 =	sld [smem:$0x3FD9]  }
0x89: {  	s3 =	sld [smem:$0x3FFE];
	_ =	sdelay $0x1  }
0x8a: {  	s1 =	srdreg.scid  }
0x8b: {  	s0 =	sand.u32 $0x1, s1  }
0x8c: {  	s14 =	sshll.u32 s0, $0xA;
	s2 =	sadd.s32 s3, s2  }
0x8d: {  	s2 =	sadd.s32 s2, s14  }
0x8e: {  	[smem:$0x3FBD] =	sst s2  }
0x8f: {  	_ = 	snop  }
0x90: {  	s2 =	sld [smem:$0x3FD0];
	_ =	sdelay $0x2  }
0x91: {  	s15 =	simm.s32 $0xA;
	s4 =	simm.s32 $0x10  }
0x92: {  	[smem:s4], [sflag:s15] =	dma.local [hbm:s2], $0x1  }
0x93: {  	_ =	swait.eq [sflag:s15], $0x1  }
0x94: {  	[sflag:s15] =	ssyncset.done $0x0  }
0x95: {  	[sflag:s15] =	ssyncadd.s32 $0xFFFFFFFF  }
0x96: {  	s16 =	sld [smem:$0x11];
	(tm) =	ssettm $0x1  }
0x97: {  	s17 =	sld [smem:$0x3FFB];
	_ =	sdelay $0x3  }
0x98: {  	_ =	strace s17  }
0x99: {  	s3 =	sld [smem:$0x3FFC];
	_ =	sdelay $0x3  }
0x9a: {  	_ =	strace s3  }
0x9b: {  	s3 =	sld [smem:$0x3FFD];
	_ =	sdelay $0x3  }
0x9c: {  	_ =	strace s3  }
0x9d: {  	_ =	strace $0x8FFFFFFF  }
0x9e: {  	s18 =	sld [smem:$0x3FDB];
	_ =	sdelay $0x1  }
0x9f: {  	s19 =	simm.s32 $_scs_section_size  }
0xa0: {  	s5 =	simm.s32 $_size__tile_overlayer_lowered;
	s6 =	simm.s32 $_tile_overlayer_lowered  }
0xa1: {  	s22 =	simm.s32 $0x1BFF;
	s21 =	sshll.u32 s6, $0x1;
	s3 =	sadd.s32 s19, s18  }
0xa2: {  	s7 =	simm.s32 $0x0;
	s20 =	sshll.u32 s5, $0x1;
	s5 =	sadd.s32 s21, s3  }
0xa3: {  	[timem:s7], [sflag:s22] =	dma.local [hbm:s5], s20  }
0xa4: {  	_ =	swait.ge [sflag:s22], s20  }
0xa5: {  	s4 =	ssub.s32 $0x0, s20;
	[sflag:s22] =	ssyncset.done $0x0  }
0xa6: {  	[sflag:s22] =	ssyncadd.s32 s4;
	_ =	sdelay $0x1  }
0xa7: {  	s23 =	simm.s32 $0x1B8B  }
0xa8: {  	_ =	swait.ge [sflag:s23], $0x1  }
0xa9: {  	[sflag:s23] =	ssyncset.done $0x0  }
0xaa: {  	s25 =	simm.s32 $0x1B8E;
	s24 =	sld [smem:$0x3FFE];
	[sflag:s23] =	ssyncadd.s32 $0xFFFFFFFF  }
0xab: {  	s26 =	simm.s32 $execute0_lowered;
	[smem:$0x3FD2] =	sst s25  }
0xac: {  	s5 =	sshll.u32 s26, $0x1;
	_ =	strace $0x80000046;
	[dreg:$0x1] =	wrdreg $0xFFFFFFFF  }
0xad: {  	s28 =	simm.s32 $_size_execute0_lowered;
	s3 =	sadd.s32 s3, s5;
	[dreg:$0x0] =	wrdreg $0x0  }
0xae: {  	s5 =	sshll.u32 s28, $0x1;
	[dreg:$0x2] =	wrdreg s3  }
0xaf: {  	[dreg:$0x3] =	wrdreg s5  }
0xb0: {  	[dreg:$0x4] =	wrdreg $0xC0  }
0xb1: {  	_ =	task [dreg:s7], $0x5FFFF  }
0xb2: {  	[dreg:$0x1] =	wrdreg $0xFFFFFFFF  }
0xb3: {  	[dreg:$0x0] =	wrdreg $0x60  }
0xb4: {  	[dreg:$0x2] =	wrdreg s24  }
0xb5: {  	[dreg:$0x3] =	wrdreg s16  }
0xb6: {  	[dreg:$0x4] =	wrdreg $0x9  }
0xb7: {  	_ =	task.clear_ibuf [dreg:s7], $0x5FFFF;
	_ =	strace $0x90000046  }
0xb8: {  	s29 =	simm.s32 $0x9;
	_ =	strace $0x80000048  }
0xb9: {  	_ =	swait.ge [sflag:s29], $0x1  }
0xba: {  	[sflag:s29] =	ssyncadd.s32 $0xFFFFFFFF  }
0xbb: {  	_ =	strace $0x90000048  }
0xbc: {  	_ =	sfence  }
0xbd: {  	s30 =	sld [smem:$0x0];
	_ =	sdelay $0x2  }
0xbe: {  	s31 =	sshll.u32 s1, $0xD;
	s1 =	sshrl.u32 s1, $0x2  }
0xbf: {  	s3 =	sand.u32 $0x4000, s31;
	s1 =	sadd.s32 s1, s30  }
0xc0: {  	s0 =	sor.u32 s3, s0;
	s1 =	sshll.u32 s1, $0x11  }
0xc1: {  	s0 =	sor.u32 s1, s0  }
0xc2: {  	s0 =	sadd.s32 $0x8F2B, s0  }
0xc3: {  	[sflag:s0] =	ssyncadd.remote.s32 $0x1  }
0xc4: {  	_ =	sfence.sel $0xFFFF  }
0xc5: {  	[dreg:$0x0] =	wrdreg $0xFFFFFFFF;
	(pc) =	sbr.abs _section_cstart, $3  }
0xc6: {  	[dreg:$0x1] =	wrdreg $0xFFFFFFFF  }
0xc7: {  	_ =	task.clear_ibuf [dreg:s7], $0x2FFFF;
	_ =	strace $0x9FFFFFFF  }
0xc8: {  	(tm) =	ssettm $0x7FFFFFFF  }
0xc9: {  	_ =	shalt  }
tec
execute0_lowered:
.L_overlay_start_1:
0x0: {  	(tag) =	ssettag $0x1  }
0x1: {  	s4 =	rddreg [dreg:$0x0]  }
0x2: {  	s5 =	rddreg [dreg:$0x1]  }
0x3: {  	s0 =	rddreg [dreg:$0x2]  }
0x4: {  	s3 =	srdreg.scid;
	s1 =	stileid.u32;
	s2 =	simm.s32 $0x0  }
0x5: {  	s10 =	simm.s32 $0x4400;
	s11 =	simm.s32 $0x5400;
	s12 =	simm.s32 $0x6400  }
0x6: {  	s13 =	simm.s32 $0x7400;
	s14 =	simm.s32 $0x8400;
	s15 =	simm.s32 $0x9400  }
0x7: {  	s16 =	simm.s32 $0xA400;
	s17 =	simm.s32 $0x1;
	s18 =	simm.s32 $0x0  }
0x8: {  	s3 =	sand.u32 $0x1, s3;
	s6 =	smul.u32 $0xD0000, s1;
	[smem:$0x7FF] =	sst s2  }
0x9: {  	s8 =	sshll.u32 s1, $0x1;
	s7 =	smul.u32 $0x68000, s3;
	_ =	strace $0x80000047  }
0xa: {  	s30 =	ssub.s32 $0x2, s3;
	s3 =	sor.u32 s3, s8;
	s8 =	simm.s32 $0x80  }
0xb: {  	s31 =	sshrl.u32 s30, $0x1;
	s9 =	smul.u32 $0x680, s3;
	s6 =	sadd.s32 s7, s6  }
0xc: {  	s3 =	sadd.s32 $0xF85A00, s4;
	s7 =	ssub.s32 s30, s31;
	s6 =	sshrl.u32 s6, $0x3  }
0xd: {  	s6 =	sadd.s32 s6, s4;
	s4 =	sadd.s32 s5, s9;
	s5 =	smax.u32 s7, $0x1  }
0xe: {  	s7 =	simm.s32 $0x2;
	s9 =	simm.s32 $0x3400;
	s6 =	sadd.s32 $0x43600, s6  }
.LBB2_1:
0xf: {  	[tilespmem:s2], [sflag:$0x2] =	stream.linear.gather [hbm4b:s4+s2], $0x3400, $0x38;
	[tilespmem:$0xB400] =	vst v63  }
0x10: {  	_ =	swait.ge [sflag:s7], $0x3400  }
0x11: {  	[sflag:s7] =	ssyncset.done $0x0  }
0x12: {  	s19 =	simm.s32 $0x0;
	[sflag:s7] =	ssyncadd.s32 $0xFFFFCC00  }
0x13: {  	[tilespmem:s9], [sflag:$0x1] =	stream.indirect.gather [hbm4b:s3+s8], $0x20, s19, s8, $0xb8;
	[tilespmem:$0xB400] =	vst v63  }
0x14: {  	s23 =	simm.s32 $0x80  }
0x15: {  	[tilespmem:s10], [sflag:$0x1] =	stream.indirect.gather [hbm4b:s3+s8], $0x20, s23, s8, $0xb8;
	[tilespmem:$0xB400] =	vst v63  }
0x16: {  	s24 =	simm.s32 $0x100  }
0x17: {  	[tilespmem:s11], [sflag:$0x1] =	stream.indirect.gather [hbm4b:s3+s8], $0x20, s24, s8, $0xb8;
	[tilespmem:$0xB400] =	vst v63  }
0x18: {  	s25 =	simm.s32 $0x180  }
0x19: {  	[tilespmem:s12], [sflag:$0x1] =	stream.indirect.gather [hbm4b:s3+s8], $0x20, s25, s8, $0xb8;
	[tilespmem:$0xB400] =	vst v63  }
0x1a: {  	s26 =	simm.s32 $0x200  }
0x1b: {  	[tilespmem:s13], [sflag:$0x1] =	stream.indirect.gather [hbm4b:s3+s8], $0x20, s26, s8, $0xb8;
	[tilespmem:$0xB400] =	vst v63  }
0x1c: {  	s28 =	simm.s32 $0x280  }
0x1d: {  	[tilespmem:s14], [sflag:$0x1] =	stream.indirect.gather [hbm4b:s3+s8], $0x20, s28, s8, $0xb8;
	[tilespmem:$0xB400] =	vst v63  }
0x1e: {  	s29 =	simm.s32 $0x300  }
0x1f: {  	[tilespmem:s15], [sflag:$0x1] =	stream.indirect.gather [hbm4b:s3+s8], $0x20, s29, s8, $0xb8;
	[tilespmem:$0xB400] =	vst v63  }
0x20: {  	s30 =	simm.s32 $0x380  }
0x21: {  	[tilespmem:s16], [sflag:$0x1] =	stream.indirect.gather [hbm4b:s3+s8], $0x20, s30, s8, $0xb8;
	[tilespmem:$0xB400] =	vst v63  }
0x22: {  	_ =	swait.ge [sflag:s17], $0x1000  }
0x23: {  	[sflag:s17] =	ssyncset.done $0x0  }
0x24: {  	[sflag:s17] =	ssyncadd.s32 $0xFFFFF000  }
0x25: {  	_ =	swait.ge [sflag:s17], $0x1000  }
0x26: {  	[sflag:s17] =	ssyncset.done $0x0  }
0x27: {  	[sflag:s17] =	ssyncadd.s32 $0xFFFFF000  }
0x28: {  	_ =	swait.ge [sflag:s17], $0x1000  }
0x29: {  	[sflag:s17] =	ssyncset.done $0x0  }
0x2a: {  	[sflag:s17] =	ssyncadd.s32 $0xFFFFF000  }
0x2b: {  	_ =	swait.ge [sflag:s17], $0x1000  }
0x2c: {  	[sflag:s17] =	ssyncset.done $0x0  }
0x2d: {  	[sflag:s17] =	ssyncadd.s32 $0xFFFFF000  }
0x2e: {  	_ =	swait.ge [sflag:s17], $0x1000  }
0x2f: {  	[sflag:s17] =	ssyncset.done $0x0  }
0x30: {  	[sflag:s17] =	ssyncadd.s32 $0xFFFFF000  }
0x31: {  	_ =	swait.ge [sflag:s17], $0x1000  }
0x32: {  	[sflag:s17] =	ssyncset.done $0x0  }
0x33: {  	[sflag:s17] =	ssyncadd.s32 $0xFFFFF000  }
0x34: {  	_ =	swait.ge [sflag:s17], $0x1000  }
0x35: {  	[sflag:s17] =	ssyncset.done $0x0  }
0x36: {  	[sflag:s17] =	ssyncadd.s32 $0xFFFFF000  }
0x37: {  	_ =	swait.ge [sflag:s17], $0x1000  }
0x38: {  	[sflag:s17] =	ssyncset.done $0x0  }
0x39: {  	s31 =	sadd.s32 $0x0, s6;
	[sflag:s17] =	ssyncadd.s32 $0xFFFFF000  }
0x3a: {  	[hbm4b:s31+s2] =	stream.linear.scatter [tilespmem:s9], [sflag:$0x2], $0x8000, $0x38;
	[tilespmem:$0xB400] =	vst v63  }
0x3b: {  	_ =	swait.ge [sflag:s7], $0x8000  }
0x3c: {  	s22 =	simm.s32 $0x2000;
	s19 =	simm.s32 $0x1000;
	[sflag:s7] =	ssyncset.done $0x0  }
.LBB2_2:
0x3d: {  	s23 =	sshra.s32 s19, $0x2  }
0x3e: {  	[sflag:s7] =	ssyncadd.s32 $0xFFFF8000;
	s21 =	smov.u32 s22;
	s20 =	sadd.s32 $0x1000, s22  }
0x3f: {  	[tilespmem:s9], [sflag:$0x1] =	stream.indirect.gather [hbm4b:s3+s8], $0x20, s23, s8, $0xb8;
	[tilespmem:$0xB400] =	vst v63  }
0x40: {  	p0 =	sne.s32 s22, $0xC000;
	s22 =	sadd.s32 $0x80, s23  }
0x41: {  	[tilespmem:s10], [sflag:$0x1] =	stream.indirect.gather [hbm4b:s3+s8], $0x20, s22, s8, $0xb8;
	[tilespmem:$0xB400] =	vst v63  }
0x42: {  	s22 =	sadd.s32 $0x100, s23  }
0x43: {  	[tilespmem:s11], [sflag:$0x1] =	stream.indirect.gather [hbm4b:s3+s8], $0x20, s22, s8, $0xb8;
	[tilespmem:$0xB400] =	vst v63  }
0x44: {  	s22 =	sadd.s32 $0x180, s23  }
0x45: {  	[tilespmem:s12], [sflag:$0x1] =	stream.indirect.gather [hbm4b:s3+s8], $0x20, s22, s8, $0xb8;
	[tilespmem:$0xB400] =	vst v63  }
0x46: {  	s22 =	sadd.s32 $0x200, s23  }
0x47: {  	[tilespmem:s13], [sflag:$0x1] =	stream.indirect.gather [hbm4b:s3+s8], $0x20, s22, s8, $0xb8;
	[tilespmem:$0xB400] =	vst v63  }
0x48: {  	s22 =	sadd.s32 $0x280, s23  }
0x49: {  	[tilespmem:s14], [sflag:$0x1] =	stream.indirect.gather [hbm4b:s3+s8], $0x20, s22, s8, $0xb8;
	[tilespmem:$0xB400] =	vst v63  }
0x4a: {  	s22 =	sadd.s32 $0x300, s23  }
0x4b: {  	[tilespmem:s15], [sflag:$0x1] =	stream.indirect.gather [hbm4b:s3+s8], $0x20, s22, s8, $0xb8;
	[tilespmem:$0xB400] =	vst v63  }
0x4c: {  	s22 =	sadd.s32 $0x380, s23  }
0x4d: {  	[tilespmem:s16], [sflag:$0x1] =	stream.indirect.gather [hbm4b:s3+s8], $0x20, s22, s8, $0xb8;
	[tilespmem:$0xB400] =	vst v63  }
0x4e: {  	_ =	swait.ge [sflag:s17], $0x1000  }
0x4f: {  	[sflag:s17] =	ssyncset.done $0x0  }
0x50: {  	[sflag:s17] =	ssyncadd.s32 $0xFFFFF000  }
0x51: {  	_ =	swait.ge [sflag:s17], $0x1000  }
0x52: {  	[sflag:s17] =	ssyncset.done $0x0  }
0x53: {  	[sflag:s17] =	ssyncadd.s32 $0xFFFFF000  }
0x54: {  	_ =	swait.ge [sflag:s17], $0x1000  }
0x55: {  	[sflag:s17] =	ssyncset.done $0x0  }
0x56: {  	[sflag:s17] =	ssyncadd.s32 $0xFFFFF000  }
0x57: {  	_ =	swait.ge [sflag:s17], $0x1000  }
0x58: {  	[sflag:s17] =	ssyncset.done $0x0  }
0x59: {  	[sflag:s17] =	ssyncadd.s32 $0xFFFFF000  }
0x5a: {  	_ =	swait.ge [sflag:s17], $0x1000  }
0x5b: {  	[sflag:s17] =	ssyncset.done $0x0  }
0x5c: {  	[sflag:s17] =	ssyncadd.s32 $0xFFFFF000  }
0x5d: {  	_ =	swait.ge [sflag:s17], $0x1000  }
0x5e: {  	[sflag:s17] =	ssyncset.done $0x0  }
0x5f: {  	[sflag:s17] =	ssyncadd.s32 $0xFFFFF000  }
0x60: {  	_ =	swait.ge [sflag:s17], $0x1000  }
0x61: {  	[sflag:s17] =	ssyncset.done $0x0  }
0x62: {  	[sflag:s17] =	ssyncadd.s32 $0xFFFFF000  }
0x63: {  	_ =	swait.ge [sflag:s17], $0x1000  }
.Ltmp0:
0x64: {  	[sflag:s17] =	ssyncset.done $0x0;
	(pc) =	sbr.rel @p0 .LBB2_2-.Ltmp0, $4  }
0x65: {  	s22 =	sadd.s32 s19, s6;
	s19 =	smov.u32 s21;
	[sflag:s17] =	ssyncadd.s32 $0xFFFFF000  }
0x66: {  	[hbm4b:s22+s2] =	stream.linear.scatter [tilespmem:s9], [sflag:$0x2], $0x8000, $0x38;
	[tilespmem:$0xB400] =	vst v63  }
0x67: {  	_ =	swait.ge [sflag:s7], $0x8000  }
0x68: {  	s22 =	smov.u32 s20;
	[sflag:s7] =	ssyncset.done $0x0  }
0x69: {  	s20 =	sshra.s32 s19, $0x2;
	[sflag:s7] =	ssyncadd.s32 $0xFFFF8000  }
0x6a: {  	[tilespmem:s9], [sflag:$0x1] =	stream.indirect.gather [hbm4b:s3+s8], $0x20, s20, s8, $0xb8;
	[tilespmem:$0xB400] =	vst v63  }
0x6b: {  	s21 =	sadd.s32 $0x80, s20  }
0x6c: {  	[tilespmem:s10], [sflag:$0x1] =	stream.indirect.gather [hbm4b:s3+s8], $0x20, s21, s8, $0xb8;
	[tilespmem:$0xB400] =	vst v63  }
0x6d: {  	s25 =	sadd.s32 $0x100, s20  }
0x6e: {  	[tilespmem:s11], [sflag:$0x1] =	stream.indirect.gather [hbm4b:s3+s8], $0x20, s25, s8, $0xb8;
	[tilespmem:$0xB400] =	vst v63  }
0x6f: {  	s26 =	sadd.s32 $0x180, s20  }
0x70: {  	[tilespmem:s12], [sflag:$0x1] =	stream.indirect.gather [hbm4b:s3+s8], $0x20, s26, s8, $0xb8;
	[tilespmem:$0xB400] =	vst v63  }
0x71: {  	s28 =	sadd.s32 $0x200, s20  }
0x72: {  	[tilespmem:s13], [sflag:$0x1] =	stream.indirect.gather [hbm4b:s3+s8], $0x20, s28, s8, $0xb8;
	[tilespmem:$0xB400] =	vst v63  }
0x73: {  	s29 =	sadd.s32 $0x280, s20  }
0x74: {  	[tilespmem:s14], [sflag:$0x1] =	stream.indirect.gather [hbm4b:s3+s8], $0x20, s29, s8, $0xb8;
	[tilespmem:$0xB400] =	vst v63  }
0x75: {  	s30 =	sadd.s32 $0x300, s20  }
0x76: {  	[tilespmem:s15], [sflag:$0x1] =	stream.indirect.gather [hbm4b:s3+s8], $0x20, s30, s8, $0xb8;
	[tilespmem:$0xB400] =	vst v63  }
0x77: {  	s20 =	sadd.s32 $0x380, s20  }
0x78: {  	[tilespmem:s16], [sflag:$0x1] =	stream.indirect.gather [hbm4b:s3+s8], $0x20, s20, s8, $0xb8;
	[tilespmem:$0xB400] =	vst v63  }
0x79: {  	_ =	swait.ge [sflag:s17], $0x1000  }
0x7a: {  	[sflag:s17] =	ssyncset.done $0x0  }
0x7b: {  	[sflag:s17] =	ssyncadd.s32 $0xFFFFF000  }
0x7c: {  	_ =	swait.ge [sflag:s17], $0x1000  }
0x7d: {  	[sflag:s17] =	ssyncset.done $0x0  }
0x7e: {  	[sflag:s17] =	ssyncadd.s32 $0xFFFFF000  }
0x7f: {  	_ =	swait.ge [sflag:s17], $0x1000  }
0x80: {  	[sflag:s17] =	ssyncset.done $0x0  }
0x81: {  	[sflag:s17] =	ssyncadd.s32 $0xFFFFF000  }
0x82: {  	_ =	swait.ge [sflag:s17], $0x1000  }
0x83: {  	[sflag:s17] =	ssyncset.done $0x0  }
0x84: {  	[sflag:s17] =	ssyncadd.s32 $0xFFFFF000  }
0x85: {  	_ =	swait.ge [sflag:s17], $0x1000  }
0x86: {  	[sflag:s17] =	ssyncset.done $0x0  }
0x87: {  	[sflag:s17] =	ssyncadd.s32 $0xFFFFF000  }
0x88: {  	_ =	swait.ge [sflag:s17], $0x1000  }
0x89: {  	[sflag:s17] =	ssyncset.done $0x0  }
0x8a: {  	[sflag:s17] =	ssyncadd.s32 $0xFFFFF000  }
0x8b: {  	_ =	swait.ge [sflag:s17], $0x1000  }
0x8c: {  	[sflag:s17] =	ssyncset.done $0x0  }
0x8d: {  	[sflag:s17] =	ssyncadd.s32 $0xFFFFF000  }
0x8e: {  	s18 =	sadd.s32 $0x1, s18;
	_ =	swait.ge [sflag:s17], $0x1000  }
0x8f: {  	p0 =	sne.s32 s18, s5;
	[sflag:s17] =	ssyncset.done $0x0  }
.Ltmp1:
0x90: {  	s31 =	sadd.s32 s19, s6;
	[sflag:s17] =	ssyncadd.s32 $0xFFFFF000;
	(pc) =	sbr.rel @p0 .LBB2_1-.Ltmp1, $4  }
0x91: {  	[hbm4b:s31+s2] =	stream.linear.scatter [tilespmem:s9], [sflag:$0x2], $0x8000, $0x38;
	[tilespmem:$0xB400] =	vst v63  }
0x92: {  	_ =	swait.ge [sflag:s7], $0x8000  }
0x93: {  	[sflag:s7] =	ssyncset.done $0x0  }
0x94: {  	[sflag:s7] =	ssyncadd.s32 $0xFFFF8000  }
0x95: {  	_ =	sfence.sel $0x180000  }
0x96: {  	[bflag:$0x0] =	sbarrier.arrive $0xFFFF  }
0x97: {  	p0 =	sne.s32 s1, $0x0;
	_ =	strace $0x90000047  }
0x98: {  	s0 =	sadd.s32 @!p0 $0x100000, s0;
	[bflag:$0x2] =	sbarrier.arrive $0xFFFF  }
0x99: {  	[sflag:s0] =	ssyncadd.tile.s32 @!p0 $0x1;
	_ =	shalt  }
.Lfunc_end2:
_tile_overlayer_lowered:
.L_overlay_start_2:
0x9a: {  	(tag) =	ssettag $0x2  }
0x9b: {  	s0 =	rddreg [dreg:$0x0];
	s2 =	stileid.u32  }
0x9c: {  	s1 =	rddreg [dreg:$0x1];
	p0 =	sne.s32 s2, $0x0  }
0x9d: {  	s3 =	rddreg [dreg:$0x2];
	[bflag:$0x3] =	sbarrier.arrive $0xFFFF;
	s2 =	simm.s32 @!p0 $0x1C02  }
0x9e: {  	[timem:s3], [sflag:s2] =	dma.local @!p0 [hbm:s0], s1  }
0x9f: {  	s0 =	simm.s32 @!p0 $0x2  }
0xa0: {  	_ =	swait.ge @!p0 [sflag:s0], s1  }
0xa1: {  	s1 =	ssub.s32 @!p0 $0x0, s1;
	[sflag:s0] =	ssyncset.done @!p0 $0x0  }
0xa2: {  	[sflag:s0] =	ssyncadd.s32 @!p0 s1  }
0xa3: {  	[bflag:$0x3] =	sbarrier.arrive $0xFFFF  }
0xa4: {  	_ =	shalt  }

</sc_bundles>
